<compile_context>
chip_gen: v7x
topology: tpu7x:2x2x1
jax: 0.10.2.dev20260603
libtpu: 0.0.44.dev20260713+nightly
codegen_flags: <defaults>
</compile_context>

<pallas_src>
import functools

import jax
import jax.numpy as jnp
from jax import lax
from jax.experimental import pallas as pl
from jax.experimental.pallas import tpu as pltpu
from jax.experimental.pallas import tpu_sc as plsc

B = 16384
L = 50
D = 64
DW = D // 2
V = 1000000
N_TOK = B * L

NW = 32
CH = 100
PER_W = N_TOK // NW
NCHUNK = PER_W // CH

TR = V // NW
RC = 625
RCH = TR // RC

SENTINEL = 1


def _make_kernel():
    mesh = plsc.VectorSubcoreMesh(core_axis_name="c", subcore_axis_name="s")

    @functools.partial(
        pl.kernel,
        mesh=mesh,
        compiler_params=pltpu.CompilerParams(
            use_tc_tiling_on_sc=False, needs_layout_passes=False),
        out_type=(
            jax.ShapeDtypeStruct((1, B, L, D), jnp.float16),
            jax.ShapeDtypeStruct((NW, 128), jnp.int32),
        ),
        scratch_types=[
            pltpu.HBM((V, DW), jnp.int32),
            pltpu.VMEM((RC, D), jnp.float16),
            pltpu.VMEM((RC, D), jnp.float16),
            pltpu.VMEM((RC, DW), jnp.int32),
            pltpu.VMEM((NCHUNK, CH), jnp.int32),
            pltpu.VMEM((CH, DW), jnp.int32),
            pltpu.VMEM((CH, DW), jnp.int32),
            pltpu.VMEM((2, L, D), jnp.float16),
            pltpu.VMEM((NW, 128), jnp.int32),
            pltpu.VMEM((1, 128), jnp.int32),
            pltpu.SemaphoreType.DMA,
            pltpu.SemaphoreType.DMA,
        ],
    )
    def gather_kernel(tok_hbm, tab_hbm, out_hbm, flags_hbm,
                      tabw, f16_a, f16_b, i32_v, idx_v, rows_a, rows_b,
                      outb_v, flag_v, const_v, sem_a, sem_b):
        wid = lax.axis_index("s") * 2 + lax.axis_index("c")

        for k in range(8):
            const_v[0, pl.ds(16 * k, 16)] = jnp.zeros((16,), jnp.int32)
        pltpu.sync_copy(const_v, flags_hbm.at[pl.ds(wid, 1)])

        rbase = wid * TR

        def rconv(buf):
            def conv(i, carry2):
                for u in range(10):
                    row = i * 5 + (u // 2)
                    h = u % 2
                    half = buf[row, pl.ds(32 * h, 32)]
                    i32_v[row, pl.ds(16 * h, 16)] = plsc.bitcast(
                        half, jnp.int32)
                return carry2
            lax.fori_loop(0, RC * 2 // 10, conv, 0)

        pltpu.async_copy(tab_hbm.at[pl.ds(rbase, RC)], f16_a, sem_a)

        def repack_pair(cc, carry):
            c0 = 2 * cc
            pltpu.async_copy(
                tab_hbm.at[pl.ds(rbase + (c0 + 1) * RC, RC)], f16_b, sem_b)
            pltpu.make_async_copy(
                tab_hbm.at[pl.ds(rbase, RC)], f16_a, sem_a).wait()
            rconv(f16_a)
            pltpu.sync_copy(i32_v, tabw.at[pl.ds(rbase + c0 * RC, RC)])

            @pl.when(cc < RCH // 2 - 1)
            def _():
                pltpu.async_copy(
                    tab_hbm.at[pl.ds(rbase + (c0 + 2) * RC, RC)],
                    f16_a, sem_a)

            pltpu.make_async_copy(
                tab_hbm.at[pl.ds(rbase, RC)], f16_b, sem_b).wait()
            rconv(f16_b)
            pltpu.sync_copy(i32_v, tabw.at[pl.ds(rbase + (c0 + 1) * RC, RC)])
            return carry

        lax.fori_loop(0, RCH // 2, repack_pair, 0)

        for k in range(8):
            const_v[0, pl.ds(16 * k, 16)] = jnp.full(
                (16,), SENTINEL, jnp.int32)
        pltpu.sync_copy(const_v, flags_hbm.at[pl.ds(wid, 1)])

        ones16 = jnp.full((16,), 1, jnp.int32)
        zeros16 = jnp.zeros((16,), jnp.int32)

        def spin_cond(n):
            return n != NW * 128

        def spin_body(n):
            pltpu.sync_copy(flags_hbm, flag_v)
            acc = zeros16

            def row_acc(r, a):
                for k in range(8):
                    chunk = flag_v[r, pl.ds(16 * k, 16)]
                    a = a + jnp.where(chunk == SENTINEL, ones16, zeros16)
                return a

            acc = lax.fori_loop(0, NW, row_acc, acc)
            return jnp.sum(acc)

        lax.while_loop(spin_cond, spin_body, jnp.int32(0))

        pltpu.sync_copy(tok_hbm.at[pl.ds(wid * NCHUNK, NCHUNK)], idx_v)
        bbase = wid * (B // NW)

        def gconv(buf, j):
            def conv(i, carry2):
                for u in range(10):
                    tok_i = i * 5 + (u // 2)
                    h = u % 2
                    w16 = plsc.bitcast(
                        buf[tok_i, pl.ds(16 * h, 16)], jnp.float16)
                    outb_v[tok_i // L, tok_i % L, pl.ds(32 * h, 32)] = w16
                return carry2
            lax.fori_loop(0, CH * 2 // 10, conv, 0)
            pltpu.sync_copy(outb_v, out_hbm.at[0, pl.ds(bbase + 2 * j, 2)])

        pltpu.async_copy(tabw.at[idx_v.at[0]], rows_a, sem_a)

        def gather_pair(jj, carry):
            j0 = 2 * jj
            pltpu.async_copy(tabw.at[idx_v.at[j0 + 1]], rows_b, sem_b)
            pltpu.make_async_copy(
                tabw.at[pl.ds(0, CH)], rows_a, sem_a).wait()
            gconv(rows_a, j0)

            @pl.when(jj < NCHUNK // 2 - 1)
            def _():
                pltpu.async_copy(tabw.at[idx_v.at[j0 + 2]], rows_a, sem_a)

            pltpu.make_async_copy(
                tabw.at[pl.ds(0, CH)], rows_b, sem_b).wait()
            gconv(rows_b, j0 + 1)
            return carry

        lax.fori_loop(0, NCHUNK // 2, gather_pair, 0)

    return gather_kernel


_gather = _make_kernel()


def kernel(tokens, table):
    tok = tokens.reshape(NW * NCHUNK, CH)
    out, _ = _gather(tok, table)
    return out

# --- scband reference (transcript-rebuilt; emitter-appended) ---
"""Pipeline reference for scband-update-embeddings-21071109554522 (READ-ONLY COPY).

The authoritative reference and input builder live on the scoring server;
editing this copy changes nothing except your own understanding.
"""

import jax, jax.numpy as jnp
import numpy as np

VOCAB = 1000000
DIM = 64
B = 16384
L = 50


def setup_inputs(seed: int = 0) -> dict:
    key = jax.random.key(seed)
    k1, k2 = jax.random.split(key)
    tokens = jax.random.randint(k1, (B, L), 0, VOCAB, dtype=jnp.int32)
    # fp16 embedding table, matching torch.nn.Embedding(vocab, hidden, dtype=float16)
    table = (jax.random.normal(k2, (VOCAB, DIM), dtype=jnp.float16) * jnp.float16(0.02))
    return {"tokens": tokens, "table": table}


def reference(tokens, table):
    # embeddings = self.embedding_layer(tokens)
    embeddings = jnp.take(table, tokens, axis=0)
    # embeddings = torch.unsqueeze(embeddings, 0)
    embeddings = jnp.expand_dims(embeddings, 0)
    return embeddings

if __name__ == "__main__":
    import jax
    _d = setup_inputs()
    print(jax.jit(kernel)(*tuple(_d.values())))

</pallas_src>

<mosaic_0001>
#map = affine_map<(d0, d1) -> (0, 0)>
#map1 = affine_map<(d0, d1) -> (0, 0, 0, 0)>
module attributes {stable_mosaic.version = 14 : i64} {
  func.func @gather_kernel(%arg0: i32, %arg1: i32, %arg2: memref<8192x100xi32, #tpu.memory_space<hbm>>, %arg3: memref<1000000x64xf16, #tpu.memory_space<hbm>>, %arg4: memref<1x16384x50x64xf16, #tpu.memory_space<hbm>>, %arg5: memref<32x128xi32, #tpu.memory_space<hbm>>, %arg6: memref<1000000x32xi32, #tpu.memory_space<hbm>>, %arg7: memref<625x64xf16, #tpu.memory_space<vmem>>, %arg8: memref<625x64xf16, #tpu.memory_space<vmem>>, %arg9: memref<625x32xi32, #tpu.memory_space<vmem>>, %arg10: memref<256x100xi32, #tpu.memory_space<vmem>>, %arg11: memref<100x32xi32, #tpu.memory_space<vmem>>, %arg12: memref<100x32xi32, #tpu.memory_space<vmem>>, %arg13: memref<2x50x64xf16, #tpu.memory_space<vmem>>, %arg14: memref<32x128xi32, #tpu.memory_space<vmem>>, %arg15: memref<1x128xi32, #tpu.memory_space<vmem>>, %arg16: memref<!tpu.dma_semaphore, #tpu.memory_space<semaphore_mem>>, %arg17: memref<!tpu.dma_semaphore, #tpu.memory_space<semaphore_mem>>) attributes {dimension_semantics = [#tpu.dimension_semantics<core_parallel>, #tpu.dimension_semantics<subcore_parallel>], iteration_bounds = array<i64: 2, 16>, scalar_prefetch = 0 : i64, scratch_operands = 12 : i64, tpu.core_type = #tpu.core_type<sc_vector_subcore>, window_params = [{transform_indices = #map}, {transform_indices = #map}, {transform_indices = #map1}, {transform_indices = #map}]} {
    %mul3A = arith.constant 2 : i32
    %mul3A_0 = arith.muli %arg1, %mul3A : i32
    %add3A = arith.addi %mul3A_0, %arg0 : i32
    %broadcast_in_dim3A = arith.constant 0 : i32
    %broadcast_in_dim3A_1 = vector.broadcast %broadcast_in_dim3A : i32 to vector<16xi32>
    %swap3A = arith.constant 0 : i32
    %swap3A_2 = arith.index_cast %swap3A : i32 to index
    %swap3A_3 = arith.constant 0 : index
    %swap3A_4 = tpu.vector_load %arg15[%swap3A_2, %swap3A_3] {strides = array<i32>} : memref<1x128xi32, #tpu.memory_space<vmem>>, vector<16xi32>,
    tpu.vector_store %arg15[%swap3A_2, %swap3A_3], %broadcast_in_dim3A_1 {strides = array<i32>} : memref<1x128xi32, #tpu.memory_space<vmem>>, vector<16xi32>,
    %broadcast_in_dim3A_5 = arith.constant 0 : i32
    %broadcast_in_dim3A_6 = vector.broadcast %broadcast_in_dim3A_5 : i32 to vector<16xi32>
    %swap3A_7 = arith.constant 0 : i32
    %swap3A_8 = arith.index_cast %swap3A_7 : i32 to index
    %swap3A_9 = arith.constant 16 : index
    %swap3A_10 = tpu.vector_load %arg15[%swap3A_8, %swap3A_9] {strides = array<i32>} : memref<1x128xi32, #tpu.memory_space<vmem>>, vector<16xi32>,
    tpu.vector_store %arg15[%swap3A_8, %swap3A_9], %broadcast_in_dim3A_6 {strides = array<i32>} : memref<1x128xi32, #tpu.memory_space<vmem>>, vector<16xi32>,
    %broadcast_in_dim3A_11 = arith.constant 0 : i32
    %broadcast_in_dim3A_12 = vector.broadcast %broadcast_in_dim3A_11 : i32 to vector<16xi32>
    %swap3A_13 = arith.constant 0 : i32
    %swap3A_14 = arith.index_cast %swap3A_13 : i32 to index
    %swap3A_15 = arith.constant 32 : index
    %swap3A_16 = tpu.vector_load %arg15[%swap3A_14, %swap3A_15] {strides = array<i32>} : memref<1x128xi32, #tpu.memory_space<vmem>>, vector<16xi32>,
    tpu.vector_store %arg15[%swap3A_14, %swap3A_15], %broadcast_in_dim3A_12 {strides = array<i32>} : memref<1x128xi32, #tpu.memory_space<vmem>>, vector<16xi32>,
    %broadcast_in_dim3A_17 = arith.constant 0 : i32
    %broadcast_in_dim3A_18 = vector.broadcast %broadcast_in_dim3A_17 : i32 to vector<16xi32>
    %swap3A_19 = arith.constant 0 : i32
    %swap3A_20 = arith.index_cast %swap3A_19 : i32 to index
    %swap3A_21 = arith.constant 48 : index
    %swap3A_22 = tpu.vector_load %arg15[%swap3A_20, %swap3A_21] {strides = array<i32>} : memref<1x128xi32, #tpu.memory_space<vmem>>, vector<16xi32>,
    tpu.vector_store %arg15[%swap3A_20, %swap3A_21], %broadcast_in_dim3A_18 {strides = array<i32>} : memref<1x128xi32, #tpu.memory_space<vmem>>, vector<16xi32>,
    %broadcast_in_dim3A_23 = arith.constant 0 : i32
    %broadcast_in_dim3A_24 = vector.broadcast %broadcast_in_dim3A_23 : i32 to vector<16xi32>
    %swap3A_25 = arith.constant 0 : i32
    %swap3A_26 = arith.index_cast %swap3A_25 : i32 to index
    %swap3A_27 = arith.constant 64 : index
    %swap3A_28 = tpu.vector_load %arg15[%swap3A_26, %swap3A_27] {strides = array<i32>} : memref<1x128xi32, #tpu.memory_space<vmem>>, vector<16xi32>,
    tpu.vector_store %arg15[%swap3A_26, %swap3A_27], %broadcast_in_dim3A_24 {strides = array<i32>} : memref<1x128xi32, #tpu.memory_space<vmem>>, vector<16xi32>,
    %broadcast_in_dim3A_29 = arith.constant 0 : i32
    %broadcast_in_dim3A_30 = vector.broadcast %broadcast_in_dim3A_29 : i32 to vector<16xi32>
    %swap3A_31 = arith.constant 0 : i32
    %swap3A_32 = arith.index_cast %swap3A_31 : i32 to index
    %swap3A_33 = arith.constant 80 : index
    %swap3A_34 = tpu.vector_load %arg15[%swap3A_32, %swap3A_33] {strides = array<i32>} : memref<1x128xi32, #tpu.memory_space<vmem>>, vector<16xi32>,
    tpu.vector_store %arg15[%swap3A_32, %swap3A_33], %broadcast_in_dim3A_30 {strides = array<i32>} : memref<1x128xi32, #tpu.memory_space<vmem>>, vector<16xi32>,
    %broadcast_in_dim3A_35 = arith.constant 0 : i32
    %broadcast_in_dim3A_36 = vector.broadcast %broadcast_in_dim3A_35 : i32 to vector<16xi32>
    %swap3A_37 = arith.constant 0 : i32
    %swap3A_38 = arith.index_cast %swap3A_37 : i32 to index
    %swap3A_39 = arith.constant 96 : index
    %swap3A_40 = tpu.vector_load %arg15[%swap3A_38, %swap3A_39] {strides = array<i32>} : memref<1x128xi32, #tpu.memory_space<vmem>>, vector<16xi32>,
    tpu.vector_store %arg15[%swap3A_38, %swap3A_39], %broadcast_in_dim3A_36 {strides = array<i32>} : memref<1x128xi32, #tpu.memory_space<vmem>>, vector<16xi32>,
    %broadcast_in_dim3A_41 = arith.constant 0 : i32
    %broadcast_in_dim3A_42 = vector.broadcast %broadcast_in_dim3A_41 : i32 to vector<16xi32>
    %swap3A_43 = arith.constant 0 : i32
    %swap3A_44 = arith.index_cast %swap3A_43 : i32 to index
    %swap3A_45 = arith.constant 112 : index
    %swap3A_46 = tpu.vector_load %arg15[%swap3A_44, %swap3A_45] {strides = array<i32>} : memref<1x128xi32, #tpu.memory_space<vmem>>, vector<16xi32>,
    tpu.vector_store %arg15[%swap3A_44, %swap3A_45], %broadcast_in_dim3A_42 {strides = array<i32>} : memref<1x128xi32, #tpu.memory_space<vmem>>, vector<16xi32>,
    "tpu.region"() ({
      %run_scoped3A = tpu.sem_alloc : memref<!tpu.dma_semaphore, #tpu.memory_space<semaphore_mem>>
      %dma_start3A_127 = arith.constant 0 : i32
      %dma_start3A_128 = tpu.memref_slice %arg5[%add3A, %dma_start3A_127] : memref<32x128xi32, #tpu.memory_space<hbm>> -> memref<1x128xi32, #tpu.memory_space<hbm>>
      %dma_start3A_129 = arith.constant 0 : i32
      %dma_start3A_130 = tpu.memref_slice %arg5[%add3A, %dma_start3A_129] : memref<32x128xi32, #tpu.memory_space<hbm>> -> memref<1x128xi32, #tpu.memory_space<hbm>>
      tpu.enqueue_dma source(%arg15 : memref<1x128xi32, #tpu.memory_space<vmem>>) target(%dma_start3A_130 : memref<1x128xi32, #tpu.memory_space<hbm>>) target_semaphore(%run_scoped3A : memref<!tpu.dma_semaphore, #tpu.memory_space<semaphore_mem>>)
      %dma_wait3A = arith.constant 0 : i32
      %dma_wait3A_131 = tpu.memref_slice %arg5[%add3A, %dma_wait3A] : memref<32x128xi32, #tpu.memory_space<hbm>> -> memref<1x128xi32, #tpu.memory_space<hbm>>
      %dma_wait3A_132 = arith.constant 0 : i32
      %dma_wait3A_133 = tpu.memref_slice %arg5[%add3A, %dma_wait3A_132] : memref<32x128xi32, #tpu.memory_space<hbm>> -> memref<1x128xi32, #tpu.memory_space<hbm>>
      tpu.wait_dma2 semaphore(%run_scoped3A : memref<!tpu.dma_semaphore, #tpu.memory_space<semaphore_mem>>) src(%arg15 : memref<1x128xi32, #tpu.memory_space<vmem>>) dst(%dma_wait3A_133 : memref<1x128xi32, #tpu.memory_space<hbm>>)
      tpu.yield
    }) : () -> ()
    %mul3A_47 = arith.constant 31250 : i32
    %mul3A_48 = arith.muli %add3A, %mul3A_47 : i32
    %dma_start3A = arith.constant 0 : i32
    %dma_start3A_49 = tpu.memref_slice %arg3[%mul3A_48, %dma_start3A] : memref<1000000x64xf16, #tpu.memory_space<hbm>> -> memref<625x64xf16, #tpu.memory_space<hbm>>
    %dma_start3A_50 = arith.constant 0 : i32
    %dma_start3A_51 = tpu.memref_slice %arg3[%mul3A_48, %dma_start3A_50] : memref<1000000x64xf16, #tpu.memory_space<hbm>> -> memref<625x64xf16, #tpu.memory_space<hbm>>
    tpu.enqueue_dma source(%dma_start3A_51 : memref<625x64xf16, #tpu.memory_space<hbm>>) target(%arg7 : memref<625x64xf16, #tpu.memory_space<vmem>>) target_semaphore(%arg16 : memref<!tpu.dma_semaphore, #tpu.memory_space<semaphore_mem>>)
    %scan3A = arith.constant 0 : i32
    %scan3A_52 = arith.constant 0 : i32
    %scan3A_53 = arith.constant 25 : i32
    %scan3A_54 = arith.addi %scan3A_52, %scan3A_53 : i32
    %scan3A_55 = arith.constant 1 : i32
    scf.for %scan3A_127 = %scan3A_52 to %scan3A_54 step %scan3A_55  : i32 {
      %mul3A_128 = arith.constant 2 : i32
      %mul3A_129 = arith.muli %mul3A_128, %scan3A_127 : i32
      %add3A_130 = arith.constant 1 : i32
      %add3A_131 = arith.addi %mul3A_129, %add3A_130 : i32
      %mul3A_132 = arith.constant 625 : i32
      %mul3A_133 = arith.muli %add3A_131, %mul3A_132 : i32
      %add3A_134 = arith.addi %mul3A_48, %mul3A_133 : i32
      %dma_start3A_135 = arith.constant 0 : i32
      %dma_start3A_136 = tpu.memref_slice %arg3[%add3A_134, %dma_start3A_135] : memref<1000000x64xf16, #tpu.memory_space<hbm>> -> memref<625x64xf16, #tpu.memory_space<hbm>>
      %dma_start3A_137 = arith.constant 0 : i32
      %dma_start3A_138 = tpu.memref_slice %arg3[%add3A_134, %dma_start3A_137] : memref<1000000x64xf16, #tpu.memory_space<hbm>> -> memref<625x64xf16, #tpu.memory_space<hbm>>
      tpu.enqueue_dma source(%dma_start3A_138 : memref<625x64xf16, #tpu.memory_space<hbm>>) target(%arg8 : memref<625x64xf16, #tpu.memory_space<vmem>>) target_semaphore(%arg17 : memref<!tpu.dma_semaphore, #tpu.memory_space<semaphore_mem>>)
      %dma_wait3A = arith.constant 0 : i32
      %dma_wait3A_139 = tpu.memref_slice %arg3[%mul3A_48, %dma_wait3A] : memref<1000000x64xf16, #tpu.memory_space<hbm>> -> memref<625x64xf16, #tpu.memory_space<hbm>>
      %dma_wait3A_140 = arith.constant 0 : i32
      %dma_wait3A_141 = tpu.memref_slice %arg3[%mul3A_48, %dma_wait3A_140] : memref<1000000x64xf16, #tpu.memory_space<hbm>> -> memref<625x64xf16, #tpu.memory_space<hbm>>
      tpu.wait_dma2 semaphore(%arg16 : memref<!tpu.dma_semaphore, #tpu.memory_space<semaphore_mem>>) src(%dma_wait3A_141 : memref<625x64xf16, #tpu.memory_space<hbm>>) dst(%arg7 : memref<625x64xf16, #tpu.memory_space<vmem>>)
      %scan3A_142 = arith.constant 0 : i32
      %scan3A_143 = arith.constant 0 : i32
      %scan3A_144 = arith.constant 125 : i32
      %scan3A_145 = arith.addi %scan3A_143, %scan3A_144 : i32
      %scan3A_146 = arith.constant 1 : i32
      scf.for %scan3A_168 = %scan3A_143 to %scan3A_145 step %scan3A_146  : i32 {
        %mul3A_169 = arith.constant 5 : i32
        %mul3A_170 = arith.muli %scan3A_168, %mul3A_169 : i32
        %add3A_171 = arith.constant 0 : i32
        %add3A_172 = arith.addi %mul3A_170, %add3A_171 : i32
        %get3A = arith.index_cast %add3A_172 : i32 to index
        %get3A_173 = arith.constant 0 : index
        %get3A_174 = tpu.vector_load %arg7[%get3A, %get3A_173] {strides = array<i32>} : memref<625x64xf16, #tpu.memory_space<vmem>>, vector<32xf16>,
        %bitcast3A = vector.bitcast %get3A_174 : vector<32xf16> to vector<16xi32>
        %swap3A_175 = arith.index_cast %add3A_172 : i32 to index
        %swap3A_176 = arith.constant 0 : index
        %swap3A_177 = tpu.vector_load %arg9[%swap3A_175, %swap3A_176] {strides = array<i32>} : memref<625x32xi32, #tpu.memory_space<vmem>>, vector<16xi32>,
        tpu.vector_store %arg9[%swap3A_175, %swap3A_176], %bitcast3A {strides = array<i32>} : memref<625x32xi32, #tpu.memory_space<vmem>>, vector<16xi32>,
        %mul3A_178 = arith.constant 5 : i32
        %mul3A_179 = arith.muli %scan3A_168, %mul3A_178 : i32
        %add3A_180 = arith.constant 0 : i32
        %add3A_181 = arith.addi %mul3A_179, %add3A_180 : i32
        %get3A_182 = arith.index_cast %add3A_181 : i32 to index
        %get3A_183 = arith.constant 32 : index
        %get3A_184 = tpu.vector_load %arg7[%get3A_182, %get3A_183] {strides = array<i32>} : memref<625x64xf16, #tpu.memory_space<vmem>>, vector<32xf16>,
        %bitcast3A_185 = vector.bitcast %get3A_184 : vector<32xf16> to vector<16xi32>
        %swap3A_186 = arith.index_cast %add3A_181 : i32 to index
        %swap3A_187 = arith.constant 16 : index
        %swap3A_188 = tpu.vector_load %arg9[%swap3A_186, %swap3A_187] {strides = array<i32>} : memref<625x32xi32, #tpu.memory_space<vmem>>, vector<16xi32>,
        tpu.vector_store %arg9[%swap3A_186, %swap3A_187], %bitcast3A_185 {strides = array<i32>} : memref<625x32xi32, #tpu.memory_space<vmem>>, vector<16xi32>,
        %mul3A_189 = arith.constant 5 : i32
        %mul3A_190 = arith.muli %scan3A_168, %mul3A_189 : i32
        %add3A_191 = arith.constant 1 : i32
        %add3A_192 = arith.addi %mul3A_190, %add3A_191 : i32
        %get3A_193 = arith.index_cast %add3A_192 : i32 to index
        %get3A_194 = arith.constant 0 : index
        %get3A_195 = tpu.vector_load %arg7[%get3A_193, %get3A_194] {strides = array<i32>} : memref<625x64xf16, #tpu.memory_space<vmem>>, vector<32xf16>,
        %bitcast3A_196 = vector.bitcast %get3A_195 : vector<32xf16> to vector<16xi32>
        %swap3A_197 = arith.index_cast %add3A_192 : i32 to index
        %swap3A_198 = arith.constant 0 : index
        %swap3A_199 = tpu.vector_load %arg9[%swap3A_197, %swap3A_198] {strides = array<i32>} : memref<625x32xi32, #tpu.memory_space<vmem>>, vector<16xi32>,
        tpu.vector_store %arg9[%swap3A_197, %swap3A_198], %bitcast3A_196 {strides = array<i32>} : memref<625x32xi32, #tpu.memory_space<vmem>>, vector<16xi32>,
        %mul3A_200 = arith.constant 5 : i32
        %mul3A_201 = arith.muli %scan3A_168, %mul3A_200 : i32
        %add3A_202 = arith.constant 1 : i32
        %add3A_203 = arith.addi %mul3A_201, %add3A_202 : i32
        %get3A_204 = arith.index_cast %add3A_203 : i32 to index
        %get3A_205 = arith.constant 32 : index
        %get3A_206 = tpu.vector_load %arg7[%get3A_204, %get3A_205] {strides = array<i32>} : memref<625x64xf16, #tpu.memory_space<vmem>>, vector<32xf16>,
        %bitcast3A_207 = vector.bitcast %get3A_206 : vector<32xf16> to vector<16xi32>
        %swap3A_208 = arith.index_cast %add3A_203 : i32 to index
        %swap3A_209 = arith.constant 16 : index
        %swap3A_210 = tpu.vector_load %arg9[%swap3A_208, %swap3A_209] {strides = array<i32>} : memref<625x32xi32, #tpu.memory_space<vmem>>, vector<16xi32>,
        tpu.vector_store %arg9[%swap3A_208, %swap3A_209], %bitcast3A_207 {strides = array<i32>} : memref<625x32xi32, #tpu.memory_space<vmem>>, vector<16xi32>,
        %mul3A_211 = arith.constant 5 : i32
        %mul3A_212 = arith.muli %scan3A_168, %mul3A_211 : i32
        %add3A_213 = arith.constant 2 : i32
        %add3A_214 = arith.addi %mul3A_212, %add3A_213 : i32
        %get3A_215 = arith.index_cast %add3A_214 : i32 to index
        %get3A_216 = arith.constant 0 : index
        %get3A_217 = tpu.vector_load %arg7[%get3A_215, %get3A_216] {strides = array<i32>} : memref<625x64xf16, #tpu.memory_space<vmem>>, vector<32xf16>,
        %bitcast3A_218 = vector.bitcast %get3A_217 : vector<32xf16> to vector<16xi32>
        %swap3A_219 = arith.index_cast %add3A_214 : i32 to index
        %swap3A_220 = arith.constant 0 : index
        %swap3A_221 = tpu.vector_load %arg9[%swap3A_219, %swap3A_220] {strides = array<i32>} : memref<625x32xi32, #tpu.memory_space<vmem>>, vector<16xi32>,
        tpu.vector_store %arg9[%swap3A_219, %swap3A_220], %bitcast3A_218 {strides = array<i32>} : memref<625x32xi32, #tpu.memory_space<vmem>>, vector<16xi32>,
        %mul3A_222 = arith.constant 5 : i32
        %mul3A_223 = arith.muli %scan3A_168, %mul3A_222 : i32
        %add3A_224 = arith.constant 2 : i32
        %add3A_225 = arith.addi %mul3A_223, %add3A_224 : i32
        %get3A_226 = arith.index_cast %add3A_225 : i32 to index
        %get3A_227 = arith.constant 32 : index
        %get3A_228 = tpu.vector_load %arg7[%get3A_226, %get3A_227] {strides = array<i32>} : memref<625x64xf16, #tpu.memory_space<vmem>>, vector<32xf16>,
        %bitcast3A_229 = vector.bitcast %get3A_228 : vector<32xf16> to vector<16xi32>
        %swap3A_230 = arith.index_cast %add3A_225 : i32 to index
        %swap3A_231 = arith.constant 16 : index
        %swap3A_232 = tpu.vector_load %arg9[%swap3A_230, %swap3A_231] {strides = array<i32>} : memref<625x32xi32, #tpu.memory_space<vmem>>, vector<16xi32>,
        tpu.vector_store %arg9[%swap3A_230, %swap3A_231], %bitcast3A_229 {strides = array<i32>} : memref<625x32xi32, #tpu.memory_space<vmem>>, vector<16xi32>,
        %mul3A_233 = arith.constant 5 : i32
        %mul3A_234 = arith.muli %scan3A_168, %mul3A_233 : i32
        %add3A_235 = arith.constant 3 : i32
        %add3A_236 = arith.addi %mul3A_234, %add3A_235 : i32
        %get3A_237 = arith.index_cast %add3A_236 : i32 to index
        %get3A_238 = arith.constant 0 : index
        %get3A_239 = tpu.vector_load %arg7[%get3A_237, %get3A_238] {strides = array<i32>} : memref<625x64xf16, #tpu.memory_space<vmem>>, vector<32xf16>,
        %bitcast3A_240 = vector.bitcast %get3A_239 : vector<32xf16> to vector<16xi32>
        %swap3A_241 = arith.index_cast %add3A_236 : i32 to index
        %swap3A_242 = arith.constant 0 : index
        %swap3A_243 = tpu.vector_load %arg9[%swap3A_241, %swap3A_242] {strides = array<i32>} : memref<625x32xi32, #tpu.memory_space<vmem>>, vector<16xi32>,
        tpu.vector_store %arg9[%swap3A_241, %swap3A_242], %bitcast3A_240 {strides = array<i32>} : memref<625x32xi32, #tpu.memory_space<vmem>>, vector<16xi32>,
        %mul3A_244 = arith.constant 5 : i32
        %mul3A_245 = arith.muli %scan3A_168, %mul3A_244 : i32
        %add3A_246 = arith.constant 3 : i32
        %add3A_247 = arith.addi %mul3A_245, %add3A_246 : i32
        %get3A_248 = arith.index_cast %add3A_247 : i32 to index
        %get3A_249 = arith.constant 32 : index
        %get3A_250 = tpu.vector_load %arg7[%get3A_248, %get3A_249] {strides = array<i32>} : memref<625x64xf16, #tpu.memory_space<vmem>>, vector<32xf16>,
        %bitcast3A_251 = vector.bitcast %get3A_250 : vector<32xf16> to vector<16xi32>
        %swap3A_252 = arith.index_cast %add3A_247 : i32 to index
        %swap3A_253 = arith.constant 16 : index
        %swap3A_254 = tpu.vector_load %arg9[%swap3A_252, %swap3A_253] {strides = array<i32>} : memref<625x32xi32, #tpu.memory_space<vmem>>, vector<16xi32>,
        tpu.vector_store %arg9[%swap3A_252, %swap3A_253], %bitcast3A_251 {strides = array<i32>} : memref<625x32xi32, #tpu.memory_space<vmem>>, vector<16xi32>,
        %mul3A_255 = arith.constant 5 : i32
        %mul3A_256 = arith.muli %scan3A_168, %mul3A_255 : i32
        %add3A_257 = arith.constant 4 : i32
        %add3A_258 = arith.addi %mul3A_256, %add3A_257 : i32
        %get3A_259 = arith.index_cast %add3A_258 : i32 to index
        %get3A_260 = arith.constant 0 : index
        %get3A_261 = tpu.vector_load %arg7[%get3A_259, %get3A_260] {strides = array<i32>} : memref<625x64xf16, #tpu.memory_space<vmem>>, vector<32xf16>,
        %bitcast3A_262 = vector.bitcast %get3A_261 : vector<32xf16> to vector<16xi32>
        %swap3A_263 = arith.index_cast %add3A_258 : i32 to index
        %swap3A_264 = arith.constant 0 : index
        %swap3A_265 = tpu.vector_load %arg9[%swap3A_263, %swap3A_264] {strides = array<i32>} : memref<625x32xi32, #tpu.memory_space<vmem>>, vector<16xi32>,
        tpu.vector_store %arg9[%swap3A_263, %swap3A_264], %bitcast3A_262 {strides = array<i32>} : memref<625x32xi32, #tpu.memory_space<vmem>>, vector<16xi32>,
        %mul3A_266 = arith.constant 5 : i32
        %mul3A_267 = arith.muli %scan3A_168, %mul3A_266 : i32
        %add3A_268 = arith.constant 4 : i32
        %add3A_269 = arith.addi %mul3A_267, %add3A_268 : i32
        %get3A_270 = arith.index_cast %add3A_269 : i32 to index
        %get3A_271 = arith.constant 32 : index
        %get3A_272 = tpu.vector_load %arg7[%get3A_270, %get3A_271] {strides = array<i32>} : memref<625x64xf16, #tpu.memory_space<vmem>>, vector<32xf16>,
        %bitcast3A_273 = vector.bitcast %get3A_272 : vector<32xf16> to vector<16xi32>
        %swap3A_274 = arith.index_cast %add3A_269 : i32 to index
        %swap3A_275 = arith.constant 16 : index
        %swap3A_276 = tpu.vector_load %arg9[%swap3A_274, %swap3A_275] {strides = array<i32>} : memref<625x32xi32, #tpu.memory_space<vmem>>, vector<16xi32>,
        tpu.vector_store %arg9[%swap3A_274, %swap3A_275], %bitcast3A_273 {strides = array<i32>} : memref<625x32xi32, #tpu.memory_space<vmem>>, vector<16xi32>,
      }
      %scan3A_147 = arith.constant 125 : i32
      %mul3A_148 = arith.constant 625 : i32
      %mul3A_149 = arith.muli %mul3A_129, %mul3A_148 : i32
      %add3A_150 = arith.addi %mul3A_48, %mul3A_149 : i32
      "tpu.region"() ({
        %run_scoped3A = tpu.sem_alloc : memref<!tpu.dma_semaphore, #tpu.memory_space<semaphore_mem>>
        %dma_start3A_168 = arith.constant 0 : i32
        %dma_start3A_169 = tpu.memref_slice %arg6[%add3A_150, %dma_start3A_168] : memref<1000000x32xi32, #tpu.memory_space<hbm>> -> memref<625x32xi32, #tpu.memory_space<hbm>>
        %dma_start3A_170 = arith.constant 0 : i32
        %dma_start3A_171 = tpu.memref_slice %arg6[%add3A_150, %dma_start3A_170] : memref<1000000x32xi32, #tpu.memory_space<hbm>> -> memref<625x32xi32, #tpu.memory_space<hbm>>
        tpu.enqueue_dma source(%arg9 : memref<625x32xi32, #tpu.memory_space<vmem>>) target(%dma_start3A_171 : memref<625x32xi32, #tpu.memory_space<hbm>>) target_semaphore(%run_scoped3A : memref<!tpu.dma_semaphore, #tpu.memory_space<semaphore_mem>>)
        %dma_wait3A_172 = arith.constant 0 : i32
        %dma_wait3A_173 = tpu.memref_slice %arg6[%add3A_150, %dma_wait3A_172] : memref<1000000x32xi32, #tpu.memory_space<hbm>> -> memref<625x32xi32, #tpu.memory_space<hbm>>
        %dma_wait3A_174 = arith.constant 0 : i32
        %dma_wait3A_175 = tpu.memref_slice %arg6[%add3A_150, %dma_wait3A_174] : memref<1000000x32xi32, #tpu.memory_space<hbm>> -> memref<625x32xi32, #tpu.memory_space<hbm>>
        tpu.wait_dma2 semaphore(%run_scoped3A : memref<!tpu.dma_semaphore, #tpu.memory_space<semaphore_mem>>) src(%arg9 : memref<625x32xi32, #tpu.memory_space<vmem>>) dst(%dma_wait3A_175 : memref<625x32xi32, #tpu.memory_space<hbm>>)
        tpu.yield
      }) : () -> ()
      %lt3A = arith.constant 24 : i32
      %lt3A_151 = arith.cmpi slt, %scan3A_127, %lt3A : i32
      %convert_element_type3A = arith.extui %lt3A_151 : i1 to i32
      %cond3A = arith.constant 0 : i32
      %cond3A_152 = arith.cmpi ne, %convert_element_type3A, %cond3A : i32
      scf.if %cond3A_152 {
        %add3A_168 = arith.constant 2 : i32
        %add3A_169 = arith.addi %mul3A_129, %add3A_168 : i32
        %mul3A_170 = arith.constant 625 : i32
        %mul3A_171 = arith.muli %add3A_169, %mul3A_170 : i32
        %add3A_172 = arith.addi %mul3A_48, %mul3A_171 : i32
        %dma_start3A_173 = arith.constant 0 : i32
        %dma_start3A_174 = tpu.memref_slice %arg3[%add3A_172, %dma_start3A_173] : memref<1000000x64xf16, #tpu.memory_space<hbm>> -> memref<625x64xf16, #tpu.memory_space<hbm>>
        %dma_start3A_175 = arith.constant 0 : i32
        %dma_start3A_176 = tpu.memref_slice %arg3[%add3A_172, %dma_start3A_175] : memref<1000000x64xf16, #tpu.memory_space<hbm>> -> memref<625x64xf16, #tpu.memory_space<hbm>>
        tpu.enqueue_dma source(%dma_start3A_176 : memref<625x64xf16, #tpu.memory_space<hbm>>) target(%arg7 : memref<625x64xf16, #tpu.memory_space<vmem>>) target_semaphore(%arg16 : memref<!tpu.dma_semaphore, #tpu.memory_space<semaphore_mem>>)
      } else {
      }
      %dma_wait3A_153 = arith.constant 0 : i32
      %dma_wait3A_154 = tpu.memref_slice %arg3[%mul3A_48, %dma_wait3A_153] : memref<1000000x64xf16, #tpu.memory_space<hbm>> -> memref<625x64xf16, #tpu.memory_space<hbm>>
      %dma_wait3A_155 = arith.constant 0 : i32
      %dma_wait3A_156 = tpu.memref_slice %arg3[%mul3A_48, %dma_wait3A_155] : memref<1000000x64xf16, #tpu.memory_space<hbm>> -> memref<625x64xf16, #tpu.memory_space<hbm>>
      tpu.wait_dma2 semaphore(%arg17 : memref<!tpu.dma_semaphore, #tpu.memory_space<semaphore_mem>>) src(%dma_wait3A_156 : memref<625x64xf16, #tpu.memory_space<hbm>>) dst(%arg8 : memref<625x64xf16, #tpu.memory_space<vmem>>)
      %scan3A_157 = arith.constant 0 : i32
      %scan3A_158 = arith.constant 0 : i32
      %scan3A_159 = arith.constant 125 : i32
      %scan3A_160 = arith.addi %scan3A_158, %scan3A_159 : i32
      %scan3A_161 = arith.constant 1 : i32
      scf.for %scan3A_168 = %scan3A_158 to %scan3A_160 step %scan3A_161  : i32 {
        %mul3A_169 = arith.constant 5 : i32
        %mul3A_170 = arith.muli %scan3A_168, %mul3A_169 : i32
        %add3A_171 = arith.constant 0 : i32
        %add3A_172 = arith.addi %mul3A_170, %add3A_171 : i32
        %get3A = arith.index_cast %add3A_172 : i32 to index
        %get3A_173 = arith.constant 0 : index
        %get3A_174 = tpu.vector_load %arg8[%get3A, %get3A_173] {strides = array<i32>} : memref<625x64xf16, #tpu.memory_space<vmem>>, vector<32xf16>,
        %bitcast3A = vector.bitcast %get3A_174 : vector<32xf16> to vector<16xi32>
        %swap3A_175 = arith.index_cast %add3A_172 : i32 to index
        %swap3A_176 = arith.constant 0 : index
        %swap3A_177 = tpu.vector_load %arg9[%swap3A_175, %swap3A_176] {strides = array<i32>} : memref<625x32xi32, #tpu.memory_space<vmem>>, vector<16xi32>,
        tpu.vector_store %arg9[%swap3A_175, %swap3A_176], %bitcast3A {strides = array<i32>} : memref<625x32xi32, #tpu.memory_space<vmem>>, vector<16xi32>,
        %mul3A_178 = arith.constant 5 : i32
        %mul3A_179 = arith.muli %scan3A_168, %mul3A_178 : i32
        %add3A_180 = arith.constant 0 : i32
        %add3A_181 = arith.addi %mul3A_179, %add3A_180 : i32
        %get3A_182 = arith.index_cast %add3A_181 : i32 to index
        %get3A_183 = arith.constant 32 : index
        %get3A_184 = tpu.vector_load %arg8[%get3A_182, %get3A_183] {strides = array<i32>} : memref<625x64xf16, #tpu.memory_space<vmem>>, vector<32xf16>,
        %bitcast3A_185 = vector.bitcast %get3A_184 : vector<32xf16> to vector<16xi32>
        %swap3A_186 = arith.index_cast %add3A_181 : i32 to index
        %swap3A_187 = arith.constant 16 : index
        %swap3A_188 = tpu.vector_load %arg9[%swap3A_186, %swap3A_187] {strides = array<i32>} : memref<625x32xi32, #tpu.memory_space<vmem>>, vector<16xi32>,
        tpu.vector_store %arg9[%swap3A_186, %swap3A_187], %bitcast3A_185 {strides = array<i32>} : memref<625x32xi32, #tpu.memory_space<vmem>>, vector<16xi32>,
        %mul3A_189 = arith.constant 5 : i32
        %mul3A_190 = arith.muli %scan3A_168, %mul3A_189 : i32
        %add3A_191 = arith.constant 1 : i32
        %add3A_192 = arith.addi %mul3A_190, %add3A_191 : i32
        %get3A_193 = arith.index_cast %add3A_192 : i32 to index
        %get3A_194 = arith.constant 0 : index
        %get3A_195 = tpu.vector_load %arg8[%get3A_193, %get3A_194] {strides = array<i32>} : memref<625x64xf16, #tpu.memory_space<vmem>>, vector<32xf16>,
        %bitcast3A_196 = vector.bitcast %get3A_195 : vector<32xf16> to vector<16xi32>
        %swap3A_197 = arith.index_cast %add3A_192 : i32 to index
        %swap3A_198 = arith.constant 0 : index
        %swap3A_199 = tpu.vector_load %arg9[%swap3A_197, %swap3A_198] {strides = array<i32>} : memref<625x32xi32, #tpu.memory_space<vmem>>, vector<16xi32>,
        tpu.vector_store %arg9[%swap3A_197, %swap3A_198], %bitcast3A_196 {strides = array<i32>} : memref<625x32xi32, #tpu.memory_space<vmem>>, vector<16xi32>,
        %mul3A_200 = arith.constant 5 : i32
        %mul3A_201 = arith.muli %scan3A_168, %mul3A_200 : i32
        %add3A_202 = arith.constant 1 : i32
        %add3A_203 = arith.addi %mul3A_201, %add3A_202 : i32
        %get3A_204 = arith.index_cast %add3A_203 : i32 to index
        %get3A_205 = arith.constant 32 : index
        %get3A_206 = tpu.vector_load %arg8[%get3A_204, %get3A_205] {strides = array<i32>} : memref<625x64xf16, #tpu.memory_space<vmem>>, vector<32xf16>,
        %bitcast3A_207 = vector.bitcast %get3A_206 : vector<32xf16> to vector<16xi32>
        %swap3A_208 = arith.index_cast %add3A_203 : i32 to index
        %swap3A_209 = arith.constant 16 : index
        %swap3A_210 = tpu.vector_load %arg9[%swap3A_208, %swap3A_209] {strides = array<i32>} : memref<625x32xi32, #tpu.memory_space<vmem>>, vector<16xi32>,
        tpu.vector_store %arg9[%swap3A_208, %swap3A_209], %bitcast3A_207 {strides = array<i32>} : memref<625x32xi32, #tpu.memory_space<vmem>>, vector<16xi32>,
        %mul3A_211 = arith.constant 5 : i32
        %mul3A_212 = arith.muli %scan3A_168, %mul3A_211 : i32
        %add3A_213 = arith.constant 2 : i32
        %add3A_214 = arith.addi %mul3A_212, %add3A_213 : i32
        %get3A_215 = arith.index_cast %add3A_214 : i32 to index
        %get3A_216 = arith.constant 0 : index
        %get3A_217 = tpu.vector_load %arg8[%get3A_215, %get3A_216] {strides = array<i32>} : memref<625x64xf16, #tpu.memory_space<vmem>>, vector<32xf16>,
        %bitcast3A_218 = vector.bitcast %get3A_217 : vector<32xf16> to vector<16xi32>
        %swap3A_219 = arith.index_cast %add3A_214 : i32 to index
        %swap3A_220 = arith.constant 0 : index
        %swap3A_221 = tpu.vector_load %arg9[%swap3A_219, %swap3A_220] {strides = array<i32>} : memref<625x32xi32, #tpu.memory_space<vmem>>, vector<16xi32>,
        tpu.vector_store %arg9[%swap3A_219, %swap3A_220], %bitcast3A_218 {strides = array<i32>} : memref<625x32xi32, #tpu.memory_space<vmem>>, vector<16xi32>,
        %mul3A_222 = arith.constant 5 : i32
        %mul3A_223 = arith.muli %scan3A_168, %mul3A_222 : i32
        %add3A_224 = arith.constant 2 : i32
        %add3A_225 = arith.addi %mul3A_223, %add3A_224 : i32
        %get3A_226 = arith.index_cast %add3A_225 : i32 to index
        %get3A_227 = arith.constant 32 : index
        %get3A_228 = tpu.vector_load %arg8[%get3A_226, %get3A_227] {strides = array<i32>} : memref<625x64xf16, #tpu.memory_space<vmem>>, vector<32xf16>,
        %bitcast3A_229 = vector.bitcast %get3A_228 : vector<32xf16> to vector<16xi32>
        %swap3A_230 = arith.index_cast %add3A_225 : i32 to index
        %swap3A_231 = arith.constant 16 : index
        %swap3A_232 = tpu.vector_load %arg9[%swap3A_230, %swap3A_231] {strides = array<i32>} : memref<625x32xi32, #tpu.memory_space<vmem>>, vector<16xi32>,
        tpu.vector_store %arg9[%swap3A_230, %swap3A_231], %bitcast3A_229 {strides = array<i32>} : memref<625x32xi32, #tpu.memory_space<vmem>>, vector<16xi32>,
        %mul3A_233 = arith.constant 5 : i32
        %mul3A_234 = arith.muli %scan3A_168, %mul3A_233 : i32
        %add3A_235 = arith.constant 3 : i32
        %add3A_236 = arith.addi %mul3A_234, %add3A_235 : i32
        %get3A_237 = arith.index_cast %add3A_236 : i32 to index
        %get3A_238 = arith.constant 0 : index
        %get3A_239 = tpu.vector_load %arg8[%get3A_237, %get3A_238] {strides = array<i32>} : memref<625x64xf16, #tpu.memory_space<vmem>>, vector<32xf16>,
        %bitcast3A_240 = vector.bitcast %get3A_239 : vector<32xf16> to vector<16xi32>
        %swap3A_241 = arith.index_cast %add3A_236 : i32 to index
        %swap3A_242 = arith.constant 0 : index
        %swap3A_243 = tpu.vector_load %arg9[%swap3A_241, %swap3A_242] {strides = array<i32>} : memref<625x32xi32, #tpu.memory_space<vmem>>, vector<16xi32>,
        tpu.vector_store %arg9[%swap3A_241, %swap3A_242], %bitcast3A_240 {strides = array<i32>} : memref<625x32xi32, #tpu.memory_space<vmem>>, vector<16xi32>,
        %mul3A_244 = arith.constant 5 : i32
        %mul3A_245 = arith.muli %scan3A_168, %mul3A_244 : i32
        %add3A_246 = arith.constant 3 : i32
        %add3A_247 = arith.addi %mul3A_245, %add3A_246 : i32
        %get3A_248 = arith.index_cast %add3A_247 : i32 to index
        %get3A_249 = arith.constant 32 : index
        %get3A_250 = tpu.vector_load %arg8[%get3A_248, %get3A_249] {strides = array<i32>} : memref<625x64xf16, #tpu.memory_space<vmem>>, vector<32xf16>,
        %bitcast3A_251 = vector.bitcast %get3A_250 : vector<32xf16> to vector<16xi32>
        %swap3A_252 = arith.index_cast %add3A_247 : i32 to index
        %swap3A_253 = arith.constant 16 : index
        %swap3A_254 = tpu.vector_load %arg9[%swap3A_252, %swap3A_253] {strides = array<i32>} : memref<625x32xi32, #tpu.memory_space<vmem>>, vector<16xi32>,
        tpu.vector_store %arg9[%swap3A_252, %swap3A_253], %bitcast3A_251 {strides = array<i32>} : memref<625x32xi32, #tpu.memory_space<vmem>>, vector<16xi32>,
        %mul3A_255 = arith.constant 5 : i32
        %mul3A_256 = arith.muli %scan3A_168, %mul3A_255 : i32
        %add3A_257 = arith.constant 4 : i32
        %add3A_258 = arith.addi %mul3A_256, %add3A_257 : i32
        %get3A_259 = arith.index_cast %add3A_258 : i32 to index
        %get3A_260 = arith.constant 0 : index
        %get3A_261 = tpu.vector_load %arg8[%get3A_259, %get3A_260] {strides = array<i32>} : memref<625x64xf16, #tpu.memory_space<vmem>>, vector<32xf16>,
        %bitcast3A_262 = vector.bitcast %get3A_261 : vector<32xf16> to vector<16xi32>
        %swap3A_263 = arith.index_cast %add3A_258 : i32 to index
        %swap3A_264 = arith.constant 0 : index
        %swap3A_265 = tpu.vector_load %arg9[%swap3A_263, %swap3A_264] {strides = array<i32>} : memref<625x32xi32, #tpu.memory_space<vmem>>, vector<16xi32>,
        tpu.vector_store %arg9[%swap3A_263, %swap3A_264], %bitcast3A_262 {strides = array<i32>} : memref<625x32xi32, #tpu.memory_space<vmem>>, vector<16xi32>,
        %mul3A_266 = arith.constant 5 : i32
        %mul3A_267 = arith.muli %scan3A_168, %mul3A_266 : i32
        %add3A_268 = arith.constant 4 : i32
        %add3A_269 = arith.addi %mul3A_267, %add3A_268 : i32
        %get3A_270 = arith.index_cast %add3A_269 : i32 to index
        %get3A_271 = arith.constant 32 : index
        %get3A_272 = tpu.vector_load %arg8[%get3A_270, %get3A_271] {strides = array<i32>} : memref<625x64xf16, #tpu.memory_space<vmem>>, vector<32xf16>,
        %bitcast3A_273 = vector.bitcast %get3A_272 : vector<32xf16> to vector<16xi32>
        %swap3A_274 = arith.index_cast %add3A_269 : i32 to index
        %swap3A_275 = arith.constant 16 : index
        %swap3A_276 = tpu.vector_load %arg9[%swap3A_274, %swap3A_275] {strides = array<i32>} : memref<625x32xi32, #tpu.memory_space<vmem>>, vector<16xi32>,
        tpu.vector_store %arg9[%swap3A_274, %swap3A_275], %bitcast3A_273 {strides = array<i32>} : memref<625x32xi32, #tpu.memory_space<vmem>>, vector<16xi32>,
      }
      %scan3A_162 = arith.constant 125 : i32
      %add3A_163 = arith.constant 1 : i32
      %add3A_164 = arith.addi %mul3A_129, %add3A_163 : i32
      %mul3A_165 = arith.constant 625 : i32
      %mul3A_166 = arith.muli %add3A_164, %mul3A_165 : i32
      %add3A_167 = arith.addi %mul3A_48, %mul3A_166 : i32
      "tpu.region"() ({
        %run_scoped3A = tpu.sem_alloc : memref<!tpu.dma_semaphore, #tpu.memory_space<semaphore_mem>>
        %dma_start3A_168 = arith.constant 0 : i32
        %dma_start3A_169 = tpu.memref_slice %arg6[%add3A_167, %dma_start3A_168] : memref<1000000x32xi32, #tpu.memory_space<hbm>> -> memref<625x32xi32, #tpu.memory_space<hbm>>
        %dma_start3A_170 = arith.constant 0 : i32
        %dma_start3A_171 = tpu.memref_slice %arg6[%add3A_167, %dma_start3A_170] : memref<1000000x32xi32, #tpu.memory_space<hbm>> -> memref<625x32xi32, #tpu.memory_space<hbm>>
        tpu.enqueue_dma source(%arg9 : memref<625x32xi32, #tpu.memory_space<vmem>>) target(%dma_start3A_171 : memref<625x32xi32, #tpu.memory_space<hbm>>) target_semaphore(%run_scoped3A : memref<!tpu.dma_semaphore, #tpu.memory_space<semaphore_mem>>)
        %dma_wait3A_172 = arith.constant 0 : i32
        %dma_wait3A_173 = tpu.memref_slice %arg6[%add3A_167, %dma_wait3A_172] : memref<1000000x32xi32, #tpu.memory_space<hbm>> -> memref<625x32xi32, #tpu.memory_space<hbm>>
        %dma_wait3A_174 = arith.constant 0 : i32
        %dma_wait3A_175 = tpu.memref_slice %arg6[%add3A_167, %dma_wait3A_174] : memref<1000000x32xi32, #tpu.memory_space<hbm>> -> memref<625x32xi32, #tpu.memory_space<hbm>>
        tpu.wait_dma2 semaphore(%run_scoped3A : memref<!tpu.dma_semaphore, #tpu.memory_space<semaphore_mem>>) src(%arg9 : memref<625x32xi32, #tpu.memory_space<vmem>>) dst(%dma_wait3A_175 : memref<625x32xi32, #tpu.memory_space<hbm>>)
        tpu.yield
      }) : () -> ()
    }
    %scan3A_56 = arith.constant 25 : i32
    %broadcast_in_dim3A_57 = arith.constant 1 : i32
    %broadcast_in_dim3A_58 = vector.broadcast %broadcast_in_dim3A_57 : i32 to vector<16xi32>
    %swap3A_59 = arith.constant 0 : i32
    %swap3A_60 = arith.index_cast %swap3A_59 : i32 to index
    %swap3A_61 = arith.constant 0 : index
    %swap3A_62 = tpu.vector_load %arg15[%swap3A_60, %swap3A_61] {strides = array<i32>} : memref<1x128xi32, #tpu.memory_space<vmem>>, vector<16xi32>,
    tpu.vector_store %arg15[%swap3A_60, %swap3A_61], %broadcast_in_dim3A_58 {strides = array<i32>} : memref<1x128xi32, #tpu.memory_space<vmem>>, vector<16xi32>,
    %broadcast_in_dim3A_63 = arith.constant 1 : i32
    %broadcast_in_dim3A_64 = vector.broadcast %broadcast_in_dim3A_63 : i32 to vector<16xi32>
    %swap3A_65 = arith.constant 0 : i32
    %swap3A_66 = arith.index_cast %swap3A_65 : i32 to index
    %swap3A_67 = arith.constant 16 : index
    %swap3A_68 = tpu.vector_load %arg15[%swap3A_66, %swap3A_67] {strides = array<i32>} : memref<1x128xi32, #tpu.memory_space<vmem>>, vector<16xi32>,
    tpu.vector_store %arg15[%swap3A_66, %swap3A_67], %broadcast_in_dim3A_64 {strides = array<i32>} : memref<1x128xi32, #tpu.memory_space<vmem>>, vector<16xi32>,
    %broadcast_in_dim3A_69 = arith.constant 1 : i32
    %broadcast_in_dim3A_70 = vector.broadcast %broadcast_in_dim3A_69 : i32 to vector<16xi32>
    %swap3A_71 = arith.constant 0 : i32
    %swap3A_72 = arith.index_cast %swap3A_71 : i32 to index
    %swap3A_73 = arith.constant 32 : index
    %swap3A_74 = tpu.vector_load %arg15[%swap3A_72, %swap3A_73] {strides = array<i32>} : memref<1x128xi32, #tpu.memory_space<vmem>>, vector<16xi32>,
    tpu.vector_store %arg15[%swap3A_72, %swap3A_73], %broadcast_in_dim3A_70 {strides = array<i32>} : memref<1x128xi32, #tpu.memory_space<vmem>>, vector<16xi32>,
    %broadcast_in_dim3A_75 = arith.constant 1 : i32
    %broadcast_in_dim3A_76 = vector.broadcast %broadcast_in_dim3A_75 : i32 to vector<16xi32>
    %swap3A_77 = arith.constant 0 : i32
    %swap3A_78 = arith.index_cast %swap3A_77 : i32 to index
    %swap3A_79 = arith.constant 48 : index
    %swap3A_80 = tpu.vector_load %arg15[%swap3A_78, %swap3A_79] {strides = array<i32>} : memref<1x128xi32, #tpu.memory_space<vmem>>, vector<16xi32>,
    tpu.vector_store %arg15[%swap3A_78, %swap3A_79], %broadcast_in_dim3A_76 {strides = array<i32>} : memref<1x128xi32, #tpu.memory_space<vmem>>, vector<16xi32>,
    %broadcast_in_dim3A_81 = arith.constant 1 : i32
    %broadcast_in_dim3A_82 = vector.broadcast %broadcast_in_dim3A_81 : i32 to vector<16xi32>
    %swap3A_83 = arith.constant 0 : i32
    %swap3A_84 = arith.index_cast %swap3A_83 : i32 to index
    %swap3A_85 = arith.constant 64 : index
    %swap3A_86 = tpu.vector_load %arg15[%swap3A_84, %swap3A_85] {strides = array<i32>} : memref<1x128xi32, #tpu.memory_space<vmem>>, vector<16xi32>,
    tpu.vector_store %arg15[%swap3A_84, %swap3A_85], %broadcast_in_dim3A_82 {strides = array<i32>} : memref<1x128xi32, #tpu.memory_space<vmem>>, vector<16xi32>,
    %broadcast_in_dim3A_87 = arith.constant 1 : i32
    %broadcast_in_dim3A_88 = vector.broadcast %broadcast_in_dim3A_87 : i32 to vector<16xi32>
    %swap3A_89 = arith.constant 0 : i32
    %swap3A_90 = arith.index_cast %swap3A_89 : i32 to index
    %swap3A_91 = arith.constant 80 : index
    %swap3A_92 = tpu.vector_load %arg15[%swap3A_90, %swap3A_91] {strides = array<i32>} : memref<1x128xi32, #tpu.memory_space<vmem>>, vector<16xi32>,
    tpu.vector_store %arg15[%swap3A_90, %swap3A_91], %broadcast_in_dim3A_88 {strides = array<i32>} : memref<1x128xi32, #tpu.memory_space<vmem>>, vector<16xi32>,
    %broadcast_in_dim3A_93 = arith.constant 1 : i32
    %broadcast_in_dim3A_94 = vector.broadcast %broadcast_in_dim3A_93 : i32 to vector<16xi32>
    %swap3A_95 = arith.constant 0 : i32
    %swap3A_96 = arith.index_cast %swap3A_95 : i32 to index
    %swap3A_97 = arith.constant 96 : index
    %swap3A_98 = tpu.vector_load %arg15[%swap3A_96, %swap3A_97] {strides = array<i32>} : memref<1x128xi32, #tpu.memory_space<vmem>>, vector<16xi32>,
    tpu.vector_store %arg15[%swap3A_96, %swap3A_97], %broadcast_in_dim3A_94 {strides = array<i32>} : memref<1x128xi32, #tpu.memory_space<vmem>>, vector<16xi32>,
    %broadcast_in_dim3A_99 = arith.constant 1 : i32
    %broadcast_in_dim3A_100 = vector.broadcast %broadcast_in_dim3A_99 : i32 to vector<16xi32>
    %swap3A_101 = arith.constant 0 : i32
    %swap3A_102 = arith.index_cast %swap3A_101 : i32 to index
    %swap3A_103 = arith.constant 112 : index
    %swap3A_104 = tpu.vector_load %arg15[%swap3A_102, %swap3A_103] {strides = array<i32>} : memref<1x128xi32, #tpu.memory_space<vmem>>, vector<16xi32>,
    tpu.vector_store %arg15[%swap3A_102, %swap3A_103], %broadcast_in_dim3A_100 {strides = array<i32>} : memref<1x128xi32, #tpu.memory_space<vmem>>, vector<16xi32>,
    "tpu.region"() ({
      %run_scoped3A = tpu.sem_alloc : memref<!tpu.dma_semaphore, #tpu.memory_space<semaphore_mem>>
      %dma_start3A_127 = arith.constant 0 : i32
      %dma_start3A_128 = tpu.memref_slice %arg5[%add3A, %dma_start3A_127] : memref<32x128xi32, #tpu.memory_space<hbm>> -> memref<1x128xi32, #tpu.memory_space<hbm>>
      %dma_start3A_129 = arith.constant 0 : i32
      %dma_start3A_130 = tpu.memref_slice %arg5[%add3A, %dma_start3A_129] : memref<32x128xi32, #tpu.memory_space<hbm>> -> memref<1x128xi32, #tpu.memory_space<hbm>>
      tpu.enqueue_dma source(%arg15 : memref<1x128xi32, #tpu.memory_space<vmem>>) target(%dma_start3A_130 : memref<1x128xi32, #tpu.memory_space<hbm>>) target_semaphore(%run_scoped3A : memref<!tpu.dma_semaphore, #tpu.memory_space<semaphore_mem>>)
      %dma_wait3A = arith.constant 0 : i32
      %dma_wait3A_131 = tpu.memref_slice %arg5[%add3A, %dma_wait3A] : memref<32x128xi32, #tpu.memory_space<hbm>> -> memref<1x128xi32, #tpu.memory_space<hbm>>
      %dma_wait3A_132 = arith.constant 0 : i32
      %dma_wait3A_133 = tpu.memref_slice %arg5[%add3A, %dma_wait3A_132] : memref<32x128xi32, #tpu.memory_space<hbm>> -> memref<1x128xi32, #tpu.memory_space<hbm>>
      tpu.wait_dma2 semaphore(%run_scoped3A : memref<!tpu.dma_semaphore, #tpu.memory_space<semaphore_mem>>) src(%arg15 : memref<1x128xi32, #tpu.memory_space<vmem>>) dst(%dma_wait3A_133 : memref<1x128xi32, #tpu.memory_space<hbm>>)
      tpu.yield
    }) : () -> ()
    %broadcast_in_dim3A_105 = arith.constant 1 : i32
    %broadcast_in_dim3A_106 = vector.broadcast %broadcast_in_dim3A_105 : i32 to vector<16xi32>
    %broadcast_in_dim3A_107 = arith.constant 0 : i32
    %broadcast_in_dim3A_108 = vector.broadcast %broadcast_in_dim3A_107 : i32 to vector<16xi32>
    %while3A = arith.constant 0 : i32
    %while3A_109 = scf.while (%while3A_127 = %while3A) : (i32) -> i32 {
      %ne3A = arith.constant 4096 : i32
      %ne3A_128 = arith.cmpi ne, %while3A_127, %ne3A : i32
      scf.condition(%ne3A_128) %while3A_127 : i32
    } do {
    ^bb0(%while3A_127: i32):
      "tpu.region"() ({
        %run_scoped3A = tpu.sem_alloc : memref<!tpu.dma_semaphore, #tpu.memory_space<semaphore_mem>>
        tpu.enqueue_dma source(%arg5 : memref<32x128xi32, #tpu.memory_space<hbm>>) target(%arg14 : memref<32x128xi32, #tpu.memory_space<vmem>>) target_semaphore(%run_scoped3A : memref<!tpu.dma_semaphore, #tpu.memory_space<semaphore_mem>>)
        tpu.wait_dma2 semaphore(%run_scoped3A : memref<!tpu.dma_semaphore, #tpu.memory_space<semaphore_mem>>) src(%arg5 : memref<32x128xi32, #tpu.memory_space<hbm>>) dst(%arg14 : memref<32x128xi32, #tpu.memory_space<vmem>>)
        tpu.yield
      }) : () -> ()
      %scan3A_128 = arith.constant 0 : i32
      %scan3A_129 = arith.constant 32 : i32
      %scan3A_130 = arith.addi %scan3A_128, %scan3A_129 : i32
      %scan3A_131 = arith.constant 1 : i32
      %scan3A_132 = scf.for %scan3A_137 = %scan3A_128 to %scan3A_130 step %scan3A_131 iter_args(%scan3A_138 = %broadcast_in_dim3A_108) -> (vector<16xi32>)  : i32 {
        %get3A = arith.index_cast %scan3A_137 : i32 to index
        %get3A_139 = arith.constant 0 : index
        %get3A_140 = tpu.vector_load %arg14[%get3A, %get3A_139] {strides = array<i32>} : memref<32x128xi32, #tpu.memory_space<vmem>>, vector<16xi32>,
        %eq3A = arith.constant 1 : i32
        %eq3A_141 = vector.broadcast %eq3A : i32 to vector<16xi32>
        %eq3A_142 = arith.cmpi eq, %get3A_140, %eq3A_141 : vector<16xi32>
        %select_n3A = arith.select %eq3A_142, %broadcast_in_dim3A_106, %broadcast_in_dim3A_108 : vector<16xi1>, vector<16xi32>
        %add3A_143 = arith.addi %scan3A_138, %select_n3A : vector<16xi32>
        %get3A_144 = arith.index_cast %scan3A_137 : i32 to index
        %get3A_145 = arith.constant 16 : index
        %get3A_146 = tpu.vector_load %arg14[%get3A_144, %get3A_145] {strides = array<i32>} : memref<32x128xi32, #tpu.memory_space<vmem>>, vector<16xi32>,
        %eq3A_147 = arith.constant 1 : i32
        %eq3A_148 = vector.broadcast %eq3A_147 : i32 to vector<16xi32>
        %eq3A_149 = arith.cmpi eq, %get3A_146, %eq3A_148 : vector<16xi32>
        %select_n3A_150 = arith.select %eq3A_149, %broadcast_in_dim3A_106, %broadcast_in_dim3A_108 : vector<16xi1>, vector<16xi32>
        %add3A_151 = arith.addi %add3A_143, %select_n3A_150 : vector<16xi32>
        %get3A_152 = arith.index_cast %scan3A_137 : i32 to index
        %get3A_153 = arith.constant 32 : index
        %get3A_154 = tpu.vector_load %arg14[%get3A_152, %get3A_153] {strides = array<i32>} : memref<32x128xi32, #tpu.memory_space<vmem>>, vector<16xi32>,
        %eq3A_155 = arith.constant 1 : i32
        %eq3A_156 = vector.broadcast %eq3A_155 : i32 to vector<16xi32>
        %eq3A_157 = arith.cmpi eq, %get3A_154, %eq3A_156 : vector<16xi32>
        %select_n3A_158 = arith.select %eq3A_157, %broadcast_in_dim3A_106, %broadcast_in_dim3A_108 : vector<16xi1>, vector<16xi32>
        %add3A_159 = arith.addi %add3A_151, %select_n3A_158 : vector<16xi32>
        %get3A_160 = arith.index_cast %scan3A_137 : i32 to index
        %get3A_161 = arith.constant 48 : index
        %get3A_162 = tpu.vector_load %arg14[%get3A_160, %get3A_161] {strides = array<i32>} : memref<32x128xi32, #tpu.memory_space<vmem>>, vector<16xi32>,
        %eq3A_163 = arith.constant 1 : i32
        %eq3A_164 = vector.broadcast %eq3A_163 : i32 to vector<16xi32>
        %eq3A_165 = arith.cmpi eq, %get3A_162, %eq3A_164 : vector<16xi32>
        %select_n3A_166 = arith.select %eq3A_165, %broadcast_in_dim3A_106, %broadcast_in_dim3A_108 : vector<16xi1>, vector<16xi32>
        %add3A_167 = arith.addi %add3A_159, %select_n3A_166 : vector<16xi32>
        %get3A_168 = arith.index_cast %scan3A_137 : i32 to index
        %get3A_169 = arith.constant 64 : index
        %get3A_170 = tpu.vector_load %arg14[%get3A_168, %get3A_169] {strides = array<i32>} : memref<32x128xi32, #tpu.memory_space<vmem>>, vector<16xi32>,
        %eq3A_171 = arith.constant 1 : i32
        %eq3A_172 = vector.broadcast %eq3A_171 : i32 to vector<16xi32>
        %eq3A_173 = arith.cmpi eq, %get3A_170, %eq3A_172 : vector<16xi32>
        %select_n3A_174 = arith.select %eq3A_173, %broadcast_in_dim3A_106, %broadcast_in_dim3A_108 : vector<16xi1>, vector<16xi32>
        %add3A_175 = arith.addi %add3A_167, %select_n3A_174 : vector<16xi32>
        %get3A_176 = arith.index_cast %scan3A_137 : i32 to index
        %get3A_177 = arith.constant 80 : index
        %get3A_178 = tpu.vector_load %arg14[%get3A_176, %get3A_177] {strides = array<i32>} : memref<32x128xi32, #tpu.memory_space<vmem>>, vector<16xi32>,
        %eq3A_179 = arith.constant 1 : i32
        %eq3A_180 = vector.broadcast %eq3A_179 : i32 to vector<16xi32>
        %eq3A_181 = arith.cmpi eq, %get3A_178, %eq3A_180 : vector<16xi32>
        %select_n3A_182 = arith.select %eq3A_181, %broadcast_in_dim3A_106, %broadcast_in_dim3A_108 : vector<16xi1>, vector<16xi32>
        %add3A_183 = arith.addi %add3A_175, %select_n3A_182 : vector<16xi32>
        %get3A_184 = arith.index_cast %scan3A_137 : i32 to index
        %get3A_185 = arith.constant 96 : index
        %get3A_186 = tpu.vector_load %arg14[%get3A_184, %get3A_185] {strides = array<i32>} : memref<32x128xi32, #tpu.memory_space<vmem>>, vector<16xi32>,
        %eq3A_187 = arith.constant 1 : i32
        %eq3A_188 = vector.broadcast %eq3A_187 : i32 to vector<16xi32>
        %eq3A_189 = arith.cmpi eq, %get3A_186, %eq3A_188 : vector<16xi32>
        %select_n3A_190 = arith.select %eq3A_189, %broadcast_in_dim3A_106, %broadcast_in_dim3A_108 : vector<16xi1>, vector<16xi32>
        %add3A_191 = arith.addi %add3A_183, %select_n3A_190 : vector<16xi32>
        %get3A_192 = arith.index_cast %scan3A_137 : i32 to index
        %get3A_193 = arith.constant 112 : index
        %get3A_194 = tpu.vector_load %arg14[%get3A_192, %get3A_193] {strides = array<i32>} : memref<32x128xi32, #tpu.memory_space<vmem>>, vector<16xi32>,
        %eq3A_195 = arith.constant 1 : i32
        %eq3A_196 = vector.broadcast %eq3A_195 : i32 to vector<16xi32>
        %eq3A_197 = arith.cmpi eq, %get3A_194, %eq3A_196 : vector<16xi32>
        %select_n3A_198 = arith.select %eq3A_197, %broadcast_in_dim3A_106, %broadcast_in_dim3A_108 : vector<16xi1>, vector<16xi32>
        %add3A_199 = arith.addi %add3A_191, %select_n3A_198 : vector<16xi32>
        scf.yield %add3A_199 : vector<16xi32>
      }
      %scan3A_133 = arith.constant 32 : i32
      %reduce_sum3A = arith.constant true
      %reduce_sum3A_134 = vector.broadcast %reduce_sum3A : i1 to vector<16xi1>
      %reduce_sum3A_135 = tpu.scan <sum>, %scan3A_132 masked %reduce_sum3A_134 : vector<16xi32>, vector<16xi1> -> vector<16xi32>
      %reduce_sum3A_136 = vector.extract %reduce_sum3A_135[15] : i32 from vector<16xi32>
      scf.yield %reduce_sum3A_136 : i32
    }
    %mul3A_110 = arith.constant 256 : i32
    %mul3A_111 = arith.muli %add3A, %mul3A_110 : i32
    "tpu.region"() ({
      %run_scoped3A = tpu.sem_alloc : memref<!tpu.dma_semaphore, #tpu.memory_space<semaphore_mem>>
      %dma_start3A_127 = arith.constant 0 : i32
      %dma_start3A_128 = tpu.memref_slice %arg2[%mul3A_111, %dma_start3A_127] : memref<8192x100xi32, #tpu.memory_space<hbm>> -> memref<256x100xi32, #tpu.memory_space<hbm>>
      %dma_start3A_129 = arith.constant 0 : i32
      %dma_start3A_130 = tpu.memref_slice %arg2[%mul3A_111, %dma_start3A_129] : memref<8192x100xi32, #tpu.memory_space<hbm>> -> memref<256x100xi32, #tpu.memory_space<hbm>>
      tpu.enqueue_dma source(%dma_start3A_130 : memref<256x100xi32, #tpu.memory_space<hbm>>) target(%arg10 : memref<256x100xi32, #tpu.memory_space<vmem>>) target_semaphore(%run_scoped3A : memref<!tpu.dma_semaphore, #tpu.memory_space<semaphore_mem>>)
      %dma_wait3A = arith.constant 0 : i32
      %dma_wait3A_131 = tpu.memref_slice %arg2[%mul3A_111, %dma_wait3A] : memref<8192x100xi32, #tpu.memory_space<hbm>> -> memref<256x100xi32, #tpu.memory_space<hbm>>
      %dma_wait3A_132 = arith.constant 0 : i32
      %dma_wait3A_133 = tpu.memref_slice %arg2[%mul3A_111, %dma_wait3A_132] : memref<8192x100xi32, #tpu.memory_space<hbm>> -> memref<256x100xi32, #tpu.memory_space<hbm>>
      tpu.wait_dma2 semaphore(%run_scoped3A : memref<!tpu.dma_semaphore, #tpu.memory_space<semaphore_mem>>) src(%dma_wait3A_133 : memref<256x100xi32, #tpu.memory_space<hbm>>) dst(%arg10 : memref<256x100xi32, #tpu.memory_space<vmem>>)
      tpu.yield
    }) : () -> ()
    %mul3A_112 = arith.constant 512 : i32
    %mul3A_113 = arith.muli %add3A, %mul3A_112 : i32
    %dma_start3A_114 = arith.constant 0 : i32
    %dma_start3A_115 = arith.constant 0 : i32
    %dma_start3A_116 = tpu.memref_slice %arg10[%dma_start3A_114, %dma_start3A_115] : memref<256x100xi32, #tpu.memory_space<vmem>> -> memref<1x100xi32, #tpu.memory_space<vmem>>
    %dma_start3A_117 = tpu.memref_squeeze %dma_start3A_116 : memref<1x100xi32, #tpu.memory_space<vmem>> -> memref<100xi32, #tpu.memory_space<vmem>>
    %dma_start3A_118 = arith.constant 0 : i32
    %dma_start3A_119 = arith.constant 0 : i32
    %dma_start3A_120 = tpu.memref_slice %arg6[%dma_start3A_118, %dma_start3A_119] : memref<1000000x32xi32, #tpu.memory_space<hbm>> -> memref<1000000x32xi32, #tpu.memory_space<hbm>>
    tpu.enqueue_indirect_dma source(%dma_start3A_120 : memref<1000000x32xi32, #tpu.memory_space<hbm>>) target(%arg11 : memref<100x32xi32, #tpu.memory_space<vmem>>) offsets(%dma_start3A_117 : memref<100xi32, #tpu.memory_space<vmem>>) semaphore(%arg16 : memref<!tpu.dma_semaphore, #tpu.memory_space<semaphore_mem>>)
    %scan3A_121 = arith.constant 0 : i32
    %scan3A_122 = arith.constant 0 : i32
    %scan3A_123 = arith.constant 128 : i32
    %scan3A_124 = arith.addi %scan3A_122, %scan3A_123 : i32
    %scan3A_125 = arith.constant 1 : i32
    scf.for %scan3A_127 = %scan3A_122 to %scan3A_124 step %scan3A_125  : i32 {
      %mul3A_128 = arith.constant 2 : i32
      %mul3A_129 = arith.muli %mul3A_128, %scan3A_127 : i32
      %add3A_130 = arith.constant 1 : i32
      %add3A_131 = arith.addi %mul3A_129, %add3A_130 : i32
      %dma_start3A_132 = arith.constant 0 : i32
      %dma_start3A_133 = tpu.memref_slice %arg10[%add3A_131, %dma_start3A_132] : memref<256x100xi32, #tpu.memory_space<vmem>> -> memref<1x100xi32, #tpu.memory_space<vmem>>
      %dma_start3A_134 = tpu.memref_squeeze %dma_start3A_133 : memref<1x100xi32, #tpu.memory_space<vmem>> -> memref<100xi32, #tpu.memory_space<vmem>>
      %dma_start3A_135 = arith.constant 0 : i32
      %dma_start3A_136 = arith.constant 0 : i32
      %dma_start3A_137 = tpu.memref_slice %arg6[%dma_start3A_135, %dma_start3A_136] : memref<1000000x32xi32, #tpu.memory_space<hbm>> -> memref<1000000x32xi32, #tpu.memory_space<hbm>>
      tpu.enqueue_indirect_dma source(%dma_start3A_137 : memref<1000000x32xi32, #tpu.memory_space<hbm>>) target(%arg12 : memref<100x32xi32, #tpu.memory_space<vmem>>) offsets(%dma_start3A_134 : memref<100xi32, #tpu.memory_space<vmem>>) semaphore(%arg17 : memref<!tpu.dma_semaphore, #tpu.memory_space<semaphore_mem>>)
      %dma_wait3A = arith.constant 0 : i32
      %dma_wait3A_138 = arith.constant 0 : i32
      %dma_wait3A_139 = tpu.memref_slice %arg6[%dma_wait3A, %dma_wait3A_138] : memref<1000000x32xi32, #tpu.memory_space<hbm>> -> memref<100x32xi32, #tpu.memory_space<hbm>>
      %dma_wait3A_140 = arith.constant 0 : i32
      %dma_wait3A_141 = arith.constant 0 : i32
      %dma_wait3A_142 = tpu.memref_slice %arg6[%dma_wait3A_140, %dma_wait3A_141] : memref<1000000x32xi32, #tpu.memory_space<hbm>> -> memref<100x32xi32, #tpu.memory_space<hbm>>
      tpu.wait_dma2 semaphore(%arg16 : memref<!tpu.dma_semaphore, #tpu.memory_space<semaphore_mem>>) src(%dma_wait3A_142 : memref<100x32xi32, #tpu.memory_space<hbm>>) dst(%arg11 : memref<100x32xi32, #tpu.memory_space<vmem>>)
      %scan3A_143 = arith.constant 0 : i32
      %scan3A_144 = arith.constant 0 : i32
      %scan3A_145 = arith.constant 20 : i32
      %scan3A_146 = arith.addi %scan3A_144, %scan3A_145 : i32
      %scan3A_147 = arith.constant 1 : i32
      scf.for %scan3A_172 = %scan3A_144 to %scan3A_146 step %scan3A_147  : i32 {
        %mul3A_173 = arith.constant 5 : i32
        %mul3A_174 = arith.muli %scan3A_172, %mul3A_173 : i32
        %add3A_175 = arith.constant 0 : i32
        %add3A_176 = arith.addi %mul3A_174, %add3A_175 : i32
        %get3A = arith.index_cast %add3A_176 : i32 to index
        %get3A_177 = arith.constant 0 : index
        %get3A_178 = tpu.vector_load %arg11[%get3A, %get3A_177] {strides = array<i32>} : memref<100x32xi32, #tpu.memory_space<vmem>>, vector<16xi32>,
        %bitcast3A = vector.bitcast %get3A_178 : vector<16xi32> to vector<32xf16>
        %jit3A = arith.constant 50 : i32
        %div3A = arith.divsi %add3A_176, %jit3A : i32
        %sign3A = arith.constant 0 : i32
        %sign3A_179 = arith.cmpi sgt, %add3A_176, %sign3A : i32
        %sign3A_180 = arith.extui %sign3A_179 : i1 to i32
        %sign3A_181 = arith.constant 0 : i32
        %sign3A_182 = arith.cmpi slt, %add3A_176, %sign3A_181 : i32
        %sign3A_183 = arith.extui %sign3A_182 : i1 to i32
        %sign3A_184 = arith.subi %sign3A_180, %sign3A_183 : i32
        %sign3A_185 = arith.constant 0 : i32
        %sign3A_186 = arith.cmpi sgt, %jit3A, %sign3A_185 : i32
        %sign3A_187 = arith.extui %sign3A_186 : i1 to i32
        %sign3A_188 = arith.constant 0 : i32
        %sign3A_189 = arith.cmpi slt, %jit3A, %sign3A_188 : i32
        %sign3A_190 = arith.extui %sign3A_189 : i1 to i32
        %sign3A_191 = arith.subi %sign3A_187, %sign3A_190 : i32
        %ne3A = arith.cmpi ne, %sign3A_184, %sign3A_191 : i32
        %rem3A = arith.remsi %add3A_176, %jit3A : i32
        %ne3A_192 = arith.constant 0 : i32
        %ne3A_193 = arith.cmpi ne, %rem3A, %ne3A_192 : i32
        %and3A = arith.andi %ne3A, %ne3A_193 : i1
        %sub3A = arith.constant 1 : i32
        %sub3A_194 = arith.subi %div3A, %sub3A : i32
        %select_n3A = arith.select %and3A, %sub3A_194, %div3A : i32
        %jit3A_195 = arith.constant 50 : i32
        %eq3A = arith.constant 0 : i32
        %eq3A_196 = arith.cmpi eq, %jit3A_195, %eq3A : i32
        %jit3A_197 = arith.constant 1 : i32
        %select_n3A_198 = arith.select %eq3A_196, %jit3A_197, %jit3A_195 : i32
        %rem3A_199 = arith.remsi %add3A_176, %select_n3A_198 : i32
        %ne3A_200 = arith.constant 0 : i32
        %ne3A_201 = arith.cmpi ne, %rem3A_199, %ne3A_200 : i32
        %lt3A_202 = arith.constant 0 : i32
        %lt3A_203 = arith.cmpi slt, %rem3A_199, %lt3A_202 : i32
        %lt3A_204 = arith.constant 0 : i32
        %lt3A_205 = arith.cmpi slt, %select_n3A_198, %lt3A_204 : i32
        %ne3A_206 = arith.xori %lt3A_203, %lt3A_205 : i1
        %and3A_207 = arith.andi %ne3A_206, %ne3A_201 : i1
        %add3A_208 = arith.addi %rem3A_199, %select_n3A_198 : i32
        %select_n3A_209 = arith.select %and3A_207, %add3A_208, %rem3A_199 : i32
        %swap3A_210 = arith.index_cast %select_n3A : i32 to index
        %swap3A_211 = arith.index_cast %select_n3A_209 : i32 to index
        %swap3A_212 = arith.constant 0 : index
        %swap3A_213 = tpu.vector_load %arg13[%swap3A_210, %swap3A_211, %swap3A_212] {strides = array<i32>} : memref<2x50x64xf16, #tpu.memory_space<vmem>>, vector<32xf16>,
        tpu.vector_store %arg13[%swap3A_210, %swap3A_211, %swap3A_212], %bitcast3A {strides = array<i32>} : memref<2x50x64xf16, #tpu.memory_space<vmem>>, vector<32xf16>,
        %mul3A_214 = arith.constant 5 : i32
        %mul3A_215 = arith.muli %scan3A_172, %mul3A_214 : i32
        %add3A_216 = arith.constant 0 : i32
        %add3A_217 = arith.addi %mul3A_215, %add3A_216 : i32
        %get3A_218 = arith.index_cast %add3A_217 : i32 to index
        %get3A_219 = arith.constant 16 : index
        %get3A_220 = tpu.vector_load %arg11[%get3A_218, %get3A_219] {strides = array<i32>} : memref<100x32xi32, #tpu.memory_space<vmem>>, vector<16xi32>,
        %bitcast3A_221 = vector.bitcast %get3A_220 : vector<16xi32> to vector<32xf16>
        %jit3A_222 = arith.constant 50 : i32
        %div3A_223 = arith.divsi %add3A_217, %jit3A_222 : i32
        %sign3A_224 = arith.constant 0 : i32
        %sign3A_225 = arith.cmpi sgt, %add3A_217, %sign3A_224 : i32
        %sign3A_226 = arith.extui %sign3A_225 : i1 to i32
        %sign3A_227 = arith.constant 0 : i32
        %sign3A_228 = arith.cmpi slt, %add3A_217, %sign3A_227 : i32
        %sign3A_229 = arith.extui %sign3A_228 : i1 to i32
        %sign3A_230 = arith.subi %sign3A_226, %sign3A_229 : i32
        %sign3A_231 = arith.constant 0 : i32
        %sign3A_232 = arith.cmpi sgt, %jit3A_222, %sign3A_231 : i32
        %sign3A_233 = arith.extui %sign3A_232 : i1 to i32
        %sign3A_234 = arith.constant 0 : i32
        %sign3A_235 = arith.cmpi slt, %jit3A_222, %sign3A_234 : i32
        %sign3A_236 = arith.extui %sign3A_235 : i1 to i32
        %sign3A_237 = arith.subi %sign3A_233, %sign3A_236 : i32
        %ne3A_238 = arith.cmpi ne, %sign3A_230, %sign3A_237 : i32
        %rem3A_239 = arith.remsi %add3A_217, %jit3A_222 : i32
        %ne3A_240 = arith.constant 0 : i32
        %ne3A_241 = arith.cmpi ne, %rem3A_239, %ne3A_240 : i32
        %and3A_242 = arith.andi %ne3A_238, %ne3A_241 : i1
        %sub3A_243 = arith.constant 1 : i32
        %sub3A_244 = arith.subi %div3A_223, %sub3A_243 : i32
        %select_n3A_245 = arith.select %and3A_242, %sub3A_244, %div3A_223 : i32
        %jit3A_246 = arith.constant 50 : i32
        %eq3A_247 = arith.constant 0 : i32
        %eq3A_248 = arith.cmpi eq, %jit3A_246, %eq3A_247 : i32
        %jit3A_249 = arith.constant 1 : i32
        %select_n3A_250 = arith.select %eq3A_248, %jit3A_249, %jit3A_246 : i32
        %rem3A_251 = arith.remsi %add3A_217, %select_n3A_250 : i32
        %ne3A_252 = arith.constant 0 : i32
        %ne3A_253 = arith.cmpi ne, %rem3A_251, %ne3A_252 : i32
        %lt3A_254 = arith.constant 0 : i32
        %lt3A_255 = arith.cmpi slt, %rem3A_251, %lt3A_254 : i32
        %lt3A_256 = arith.constant 0 : i32
        %lt3A_257 = arith.cmpi slt, %select_n3A_250, %lt3A_256 : i32
        %ne3A_258 = arith.xori %lt3A_255, %lt3A_257 : i1
        %and3A_259 = arith.andi %ne3A_258, %ne3A_253 : i1
        %add3A_260 = arith.addi %rem3A_251, %select_n3A_250 : i32
        %select_n3A_261 = arith.select %and3A_259, %add3A_260, %rem3A_251 : i32
        %swap3A_262 = arith.index_cast %select_n3A_245 : i32 to index
        %swap3A_263 = arith.index_cast %select_n3A_261 : i32 to index
        %swap3A_264 = arith.constant 32 : index
        %swap3A_265 = tpu.vector_load %arg13[%swap3A_262, %swap3A_263, %swap3A_264] {strides = array<i32>} : memref<2x50x64xf16, #tpu.memory_space<vmem>>, vector<32xf16>,
        tpu.vector_store %arg13[%swap3A_262, %swap3A_263, %swap3A_264], %bitcast3A_221 {strides = array<i32>} : memref<2x50x64xf16, #tpu.memory_space<vmem>>, vector<32xf16>,
        %mul3A_266 = arith.constant 5 : i32
        %mul3A_267 = arith.muli %scan3A_172, %mul3A_266 : i32
        %add3A_268 = arith.constant 1 : i32
        %add3A_269 = arith.addi %mul3A_267, %add3A_268 : i32
        %get3A_270 = arith.index_cast %add3A_269 : i32 to index
        %get3A_271 = arith.constant 0 : index
        %get3A_272 = tpu.vector_load %arg11[%get3A_270, %get3A_271] {strides = array<i32>} : memref<100x32xi32, #tpu.memory_space<vmem>>, vector<16xi32>,
        %bitcast3A_273 = vector.bitcast %get3A_272 : vector<16xi32> to vector<32xf16>
        %jit3A_274 = arith.constant 50 : i32
        %div3A_275 = arith.divsi %add3A_269, %jit3A_274 : i32
        %sign3A_276 = arith.constant 0 : i32
        %sign3A_277 = arith.cmpi sgt, %add3A_269, %sign3A_276 : i32
        %sign3A_278 = arith.extui %sign3A_277 : i1 to i32
        %sign3A_279 = arith.constant 0 : i32
        %sign3A_280 = arith.cmpi slt, %add3A_269, %sign3A_279 : i32
        %sign3A_281 = arith.extui %sign3A_280 : i1 to i32
        %sign3A_282 = arith.subi %sign3A_278, %sign3A_281 : i32
        %sign3A_283 = arith.constant 0 : i32
        %sign3A_284 = arith.cmpi sgt, %jit3A_274, %sign3A_283 : i32
        %sign3A_285 = arith.extui %sign3A_284 : i1 to i32
        %sign3A_286 = arith.constant 0 : i32
        %sign3A_287 = arith.cmpi slt, %jit3A_274, %sign3A_286 : i32
        %sign3A_288 = arith.extui %sign3A_287 : i1 to i32
        %sign3A_289 = arith.subi %sign3A_285, %sign3A_288 : i32
        %ne3A_290 = arith.cmpi ne, %sign3A_282, %sign3A_289 : i32
        %rem3A_291 = arith.remsi %add3A_269, %jit3A_274 : i32
        %ne3A_292 = arith.constant 0 : i32
        %ne3A_293 = arith.cmpi ne, %rem3A_291, %ne3A_292 : i32
        %and3A_294 = arith.andi %ne3A_290, %ne3A_293 : i1
        %sub3A_295 = arith.constant 1 : i32
        %sub3A_296 = arith.subi %div3A_275, %sub3A_295 : i32
        %select_n3A_297 = arith.select %and3A_294, %sub3A_296, %div3A_275 : i32
        %jit3A_298 = arith.constant 50 : i32
        %eq3A_299 = arith.constant 0 : i32
        %eq3A_300 = arith.cmpi eq, %jit3A_298, %eq3A_299 : i32
        %jit3A_301 = arith.constant 1 : i32
        %select_n3A_302 = arith.select %eq3A_300, %jit3A_301, %jit3A_298 : i32
        %rem3A_303 = arith.remsi %add3A_269, %select_n3A_302 : i32
        %ne3A_304 = arith.constant 0 : i32
        %ne3A_305 = arith.cmpi ne, %rem3A_303, %ne3A_304 : i32
        %lt3A_306 = arith.constant 0 : i32
        %lt3A_307 = arith.cmpi slt, %rem3A_303, %lt3A_306 : i32
        %lt3A_308 = arith.constant 0 : i32
        %lt3A_309 = arith.cmpi slt, %select_n3A_302, %lt3A_308 : i32
        %ne3A_310 = arith.xori %lt3A_307, %lt3A_309 : i1
        %and3A_311 = arith.andi %ne3A_310, %ne3A_305 : i1
        %add3A_312 = arith.addi %rem3A_303, %select_n3A_302 : i32
        %select_n3A_313 = arith.select %and3A_311, %add3A_312, %rem3A_303 : i32
        %swap3A_314 = arith.index_cast %select_n3A_297 : i32 to index
        %swap3A_315 = arith.index_cast %select_n3A_313 : i32 to index
        %swap3A_316 = arith.constant 0 : index
        %swap3A_317 = tpu.vector_load %arg13[%swap3A_314, %swap3A_315, %swap3A_316] {strides = array<i32>} : memref<2x50x64xf16, #tpu.memory_space<vmem>>, vector<32xf16>,
        tpu.vector_store %arg13[%swap3A_314, %swap3A_315, %swap3A_316], %bitcast3A_273 {strides = array<i32>} : memref<2x50x64xf16, #tpu.memory_space<vmem>>, vector<32xf16>,
        %mul3A_318 = arith.constant 5 : i32
        %mul3A_319 = arith.muli %scan3A_172, %mul3A_318 : i32
        %add3A_320 = arith.constant 1 : i32
        %add3A_321 = arith.addi %mul3A_319, %add3A_320 : i32
        %get3A_322 = arith.index_cast %add3A_321 : i32 to index
        %get3A_323 = arith.constant 16 : index
        %get3A_324 = tpu.vector_load %arg11[%get3A_322, %get3A_323] {strides = array<i32>} : memref<100x32xi32, #tpu.memory_space<vmem>>, vector<16xi32>,
        %bitcast3A_325 = vector.bitcast %get3A_324 : vector<16xi32> to vector<32xf16>
        %jit3A_326 = arith.constant 50 : i32
        %div3A_327 = arith.divsi %add3A_321, %jit3A_326 : i32
        %sign3A_328 = arith.constant 0 : i32
        %sign3A_329 = arith.cmpi sgt, %add3A_321, %sign3A_328 : i32
        %sign3A_330 = arith.extui %sign3A_329 : i1 to i32
        %sign3A_331 = arith.constant 0 : i32
        %sign3A_332 = arith.cmpi slt, %add3A_321, %sign3A_331 : i32
        %sign3A_333 = arith.extui %sign3A_332 : i1 to i32
        %sign3A_334 = arith.subi %sign3A_330, %sign3A_333 : i32
        %sign3A_335 = arith.constant 0 : i32
        %sign3A_336 = arith.cmpi sgt, %jit3A_326, %sign3A_335 : i32
        %sign3A_337 = arith.extui %sign3A_336 : i1 to i32
        %sign3A_338 = arith.constant 0 : i32
        %sign3A_339 = arith.cmpi slt, %jit3A_326, %sign3A_338 : i32
        %sign3A_340 = arith.extui %sign3A_339 : i1 to i32
        %sign3A_341 = arith.subi %sign3A_337, %sign3A_340 : i32
        %ne3A_342 = arith.cmpi ne, %sign3A_334, %sign3A_341 : i32
        %rem3A_343 = arith.remsi %add3A_321, %jit3A_326 : i32
        %ne3A_344 = arith.constant 0 : i32
        %ne3A_345 = arith.cmpi ne, %rem3A_343, %ne3A_344 : i32
        %and3A_346 = arith.andi %ne3A_342, %ne3A_345 : i1
        %sub3A_347 = arith.constant 1 : i32
        %sub3A_348 = arith.subi %div3A_327, %sub3A_347 : i32
        %select_n3A_349 = arith.select %and3A_346, %sub3A_348, %div3A_327 : i32
        %jit3A_350 = arith.constant 50 : i32
        %eq3A_351 = arith.constant 0 : i32
        %eq3A_352 = arith.cmpi eq, %jit3A_350, %eq3A_351 : i32
        %jit3A_353 = arith.constant 1 : i32
        %select_n3A_354 = arith.select %eq3A_352, %jit3A_353, %jit3A_350 : i32
        %rem3A_355 = arith.remsi %add3A_321, %select_n3A_354 : i32
        %ne3A_356 = arith.constant 0 : i32
        %ne3A_357 = arith.cmpi ne, %rem3A_355, %ne3A_356 : i32
        %lt3A_358 = arith.constant 0 : i32
        %lt3A_359 = arith.cmpi slt, %rem3A_355, %lt3A_358 : i32
        %lt3A_360 = arith.constant 0 : i32
        %lt3A_361 = arith.cmpi slt, %select_n3A_354, %lt3A_360 : i32
        %ne3A_362 = arith.xori %lt3A_359, %lt3A_361 : i1
        %and3A_363 = arith.andi %ne3A_362, %ne3A_357 : i1
        %add3A_364 = arith.addi %rem3A_355, %select_n3A_354 : i32
        %select_n3A_365 = arith.select %and3A_363, %add3A_364, %rem3A_355 : i32
        %swap3A_366 = arith.index_cast %select_n3A_349 : i32 to index
        %swap3A_367 = arith.index_cast %select_n3A_365 : i32 to index
        %swap3A_368 = arith.constant 32 : index
        %swap3A_369 = tpu.vector_load %arg13[%swap3A_366, %swap3A_367, %swap3A_368] {strides = array<i32>} : memref<2x50x64xf16, #tpu.memory_space<vmem>>, vector<32xf16>,
        tpu.vector_store %arg13[%swap3A_366, %swap3A_367, %swap3A_368], %bitcast3A_325 {strides = array<i32>} : memref<2x50x64xf16, #tpu.memory_space<vmem>>, vector<32xf16>,
        %mul3A_370 = arith.constant 5 : i32
        %mul3A_371 = arith.muli %scan3A_172, %mul3A_370 : i32
        %add3A_372 = arith.constant 2 : i32
        %add3A_373 = arith.addi %mul3A_371, %add3A_372 : i32
        %get3A_374 = arith.index_cast %add3A_373 : i32 to index
        %get3A_375 = arith.constant 0 : index
        %get3A_376 = tpu.vector_load %arg11[%get3A_374, %get3A_375] {strides = array<i32>} : memref<100x32xi32, #tpu.memory_space<vmem>>, vector<16xi32>,
        %bitcast3A_377 = vector.bitcast %get3A_376 : vector<16xi32> to vector<32xf16>
        %jit3A_378 = arith.constant 50 : i32
        %div3A_379 = arith.divsi %add3A_373, %jit3A_378 : i32
        %sign3A_380 = arith.constant 0 : i32
        %sign3A_381 = arith.cmpi sgt, %add3A_373, %sign3A_380 : i32
        %sign3A_382 = arith.extui %sign3A_381 : i1 to i32
        %sign3A_383 = arith.constant 0 : i32
        %sign3A_384 = arith.cmpi slt, %add3A_373, %sign3A_383 : i32
        %sign3A_385 = arith.extui %sign3A_384 : i1 to i32
        %sign3A_386 = arith.subi %sign3A_382, %sign3A_385 : i32
        %sign3A_387 = arith.constant 0 : i32
        %sign3A_388 = arith.cmpi sgt, %jit3A_378, %sign3A_387 : i32
        %sign3A_389 = arith.extui %sign3A_388 : i1 to i32
        %sign3A_390 = arith.constant 0 : i32
        %sign3A_391 = arith.cmpi slt, %jit3A_378, %sign3A_390 : i32
        %sign3A_392 = arith.extui %sign3A_391 : i1 to i32
        %sign3A_393 = arith.subi %sign3A_389, %sign3A_392 : i32
        %ne3A_394 = arith.cmpi ne, %sign3A_386, %sign3A_393 : i32
        %rem3A_395 = arith.remsi %add3A_373, %jit3A_378 : i32
        %ne3A_396 = arith.constant 0 : i32
        %ne3A_397 = arith.cmpi ne, %rem3A_395, %ne3A_396 : i32
        %and3A_398 = arith.andi %ne3A_394, %ne3A_397 : i1
        %sub3A_399 = arith.constant 1 : i32
        %sub3A_400 = arith.subi %div3A_379, %sub3A_399 : i32
        %select_n3A_401 = arith.select %and3A_398, %sub3A_400, %div3A_379 : i32
        %jit3A_402 = arith.constant 50 : i32
        %eq3A_403 = arith.constant 0 : i32
        %eq3A_404 = arith.cmpi eq, %jit3A_402, %eq3A_403 : i32
        %jit3A_405 = arith.constant 1 : i32
        %select_n3A_406 = arith.select %eq3A_404, %jit3A_405, %jit3A_402 : i32
        %rem3A_407 = arith.remsi %add3A_373, %select_n3A_406 : i32
        %ne3A_408 = arith.constant 0 : i32
        %ne3A_409 = arith.cmpi ne, %rem3A_407, %ne3A_408 : i32
        %lt3A_410 = arith.constant 0 : i32
        %lt3A_411 = arith.cmpi slt, %rem3A_407, %lt3A_410 : i32
        %lt3A_412 = arith.constant 0 : i32
        %lt3A_413 = arith.cmpi slt, %select_n3A_406, %lt3A_412 : i32
        %ne3A_414 = arith.xori %lt3A_411, %lt3A_413 : i1
        %and3A_415 = arith.andi %ne3A_414, %ne3A_409 : i1
        %add3A_416 = arith.addi %rem3A_407, %select_n3A_406 : i32
        %select_n3A_417 = arith.select %and3A_415, %add3A_416, %rem3A_407 : i32
        %swap3A_418 = arith.index_cast %select_n3A_401 : i32 to index
        %swap3A_419 = arith.index_cast %select_n3A_417 : i32 to index
        %swap3A_420 = arith.constant 0 : index
        %swap3A_421 = tpu.vector_load %arg13[%swap3A_418, %swap3A_419, %swap3A_420] {strides = array<i32>} : memref<2x50x64xf16, #tpu.memory_space<vmem>>, vector<32xf16>,
        tpu.vector_store %arg13[%swap3A_418, %swap3A_419, %swap3A_420], %bitcast3A_377 {strides = array<i32>} : memref<2x50x64xf16, #tpu.memory_space<vmem>>, vector<32xf16>,
        %mul3A_422 = arith.constant 5 : i32
        %mul3A_423 = arith.muli %scan3A_172, %mul3A_422 : i32
        %add3A_424 = arith.constant 2 : i32
        %add3A_425 = arith.addi %mul3A_423, %add3A_424 : i32
        %get3A_426 = arith.index_cast %add3A_425 : i32 to index
        %get3A_427 = arith.constant 16 : index
        %get3A_428 = tpu.vector_load %arg11[%get3A_426, %get3A_427] {strides = array<i32>} : memref<100x32xi32, #tpu.memory_space<vmem>>, vector<16xi32>,
        %bitcast3A_429 = vector.bitcast %get3A_428 : vector<16xi32> to vector<32xf16>
        %jit3A_430 = arith.constant 50 : i32
        %div3A_431 = arith.divsi %add3A_425, %jit3A_430 : i32
        %sign3A_432 = arith.constant 0 : i32
        %sign3A_433 = arith.cmpi sgt, %add3A_425, %sign3A_432 : i32
        %sign3A_434 = arith.extui %sign3A_433 : i1 to i32
        %sign3A_435 = arith.constant 0 : i32
        %sign3A_436 = arith.cmpi slt, %add3A_425, %sign3A_435 : i32
        %sign3A_437 = arith.extui %sign3A_436 : i1 to i32
        %sign3A_438 = arith.subi %sign3A_434, %sign3A_437 : i32
        %sign3A_439 = arith.constant 0 : i32
        %sign3A_440 = arith.cmpi sgt, %jit3A_430, %sign3A_439 : i32
        %sign3A_441 = arith.extui %sign3A_440 : i1 to i32
        %sign3A_442 = arith.constant 0 : i32
        %sign3A_443 = arith.cmpi slt, %jit3A_430, %sign3A_442 : i32
        %sign3A_444 = arith.extui %sign3A_443 : i1 to i32
        %sign3A_445 = arith.subi %sign3A_441, %sign3A_444 : i32
        %ne3A_446 = arith.cmpi ne, %sign3A_438, %sign3A_445 : i32
        %rem3A_447 = arith.remsi %add3A_425, %jit3A_430 : i32
        %ne3A_448 = arith.constant 0 : i32
        %ne3A_449 = arith.cmpi ne, %rem3A_447, %ne3A_448 : i32
        %and3A_450 = arith.andi %ne3A_446, %ne3A_449 : i1
        %sub3A_451 = arith.constant 1 : i32
        %sub3A_452 = arith.subi %div3A_431, %sub3A_451 : i32
        %select_n3A_453 = arith.select %and3A_450, %sub3A_452, %div3A_431 : i32
        %jit3A_454 = arith.constant 50 : i32
        %eq3A_455 = arith.constant 0 : i32
        %eq3A_456 = arith.cmpi eq, %jit3A_454, %eq3A_455 : i32
        %jit3A_457 = arith.constant 1 : i32
        %select_n3A_458 = arith.select %eq3A_456, %jit3A_457, %jit3A_454 : i32
        %rem3A_459 = arith.remsi %add3A_425, %select_n3A_458 : i32
        %ne3A_460 = arith.constant 0 : i32
        %ne3A_461 = arith.cmpi ne, %rem3A_459, %ne3A_460 : i32
        %lt3A_462 = arith.constant 0 : i32
        %lt3A_463 = arith.cmpi slt, %rem3A_459, %lt3A_462 : i32
        %lt3A_464 = arith.constant 0 : i32
        %lt3A_465 = arith.cmpi slt, %select_n3A_458, %lt3A_464 : i32
        %ne3A_466 = arith.xori %lt3A_463, %lt3A_465 : i1
        %and3A_467 = arith.andi %ne3A_466, %ne3A_461 : i1
        %add3A_468 = arith.addi %rem3A_459, %select_n3A_458 : i32
        %select_n3A_469 = arith.select %and3A_467, %add3A_468, %rem3A_459 : i32
        %swap3A_470 = arith.index_cast %select_n3A_453 : i32 to index
        %swap3A_471 = arith.index_cast %select_n3A_469 : i32 to index
        %swap3A_472 = arith.constant 32 : index
        %swap3A_473 = tpu.vector_load %arg13[%swap3A_470, %swap3A_471, %swap3A_472] {strides = array<i32>} : memref<2x50x64xf16, #tpu.memory_space<vmem>>, vector<32xf16>,
        tpu.vector_store %arg13[%swap3A_470, %swap3A_471, %swap3A_472], %bitcast3A_429 {strides = array<i32>} : memref<2x50x64xf16, #tpu.memory_space<vmem>>, vector<32xf16>,
        %mul3A_474 = arith.constant 5 : i32
        %mul3A_475 = arith.muli %scan3A_172, %mul3A_474 : i32
        %add3A_476 = arith.constant 3 : i32
        %add3A_477 = arith.addi %mul3A_475, %add3A_476 : i32
        %get3A_478 = arith.index_cast %add3A_477 : i32 to index
        %get3A_479 = arith.constant 0 : index
        %get3A_480 = tpu.vector_load %arg11[%get3A_478, %get3A_479] {strides = array<i32>} : memref<100x32xi32, #tpu.memory_space<vmem>>, vector<16xi32>,
        %bitcast3A_481 = vector.bitcast %get3A_480 : vector<16xi32> to vector<32xf16>
        %jit3A_482 = arith.constant 50 : i32
        %div3A_483 = arith.divsi %add3A_477, %jit3A_482 : i32
        %sign3A_484 = arith.constant 0 : i32
        %sign3A_485 = arith.cmpi sgt, %add3A_477, %sign3A_484 : i32
        %sign3A_486 = arith.extui %sign3A_485 : i1 to i32
        %sign3A_487 = arith.constant 0 : i32
        %sign3A_488 = arith.cmpi slt, %add3A_477, %sign3A_487 : i32
        %sign3A_489 = arith.extui %sign3A_488 : i1 to i32
        %sign3A_490 = arith.subi %sign3A_486, %sign3A_489 : i32
        %sign3A_491 = arith.constant 0 : i32
        %sign3A_492 = arith.cmpi sgt, %jit3A_482, %sign3A_491 : i32
        %sign3A_493 = arith.extui %sign3A_492 : i1 to i32
        %sign3A_494 = arith.constant 0 : i32
        %sign3A_495 = arith.cmpi slt, %jit3A_482, %sign3A_494 : i32
        %sign3A_496 = arith.extui %sign3A_495 : i1 to i32
        %sign3A_497 = arith.subi %sign3A_493, %sign3A_496 : i32
        %ne3A_498 = arith.cmpi ne, %sign3A_490, %sign3A_497 : i32
        %rem3A_499 = arith.remsi %add3A_477, %jit3A_482 : i32
        %ne3A_500 = arith.constant 0 : i32
        %ne3A_501 = arith.cmpi ne, %rem3A_499, %ne3A_500 : i32
        %and3A_502 = arith.andi %ne3A_498, %ne3A_501 : i1
        %sub3A_503 = arith.constant 1 : i32
        %sub3A_504 = arith.subi %div3A_483, %sub3A_503 : i32
        %select_n3A_505 = arith.select %and3A_502, %sub3A_504, %div3A_483 : i32
        %jit3A_506 = arith.constant 50 : i32
        %eq3A_507 = arith.constant 0 : i32
        %eq3A_508 = arith.cmpi eq, %jit3A_506, %eq3A_507 : i32
        %jit3A_509 = arith.constant 1 : i32
        %select_n3A_510 = arith.select %eq3A_508, %jit3A_509, %jit3A_506 : i32
        %rem3A_511 = arith.remsi %add3A_477, %select_n3A_510 : i32
        %ne3A_512 = arith.constant 0 : i32
        %ne3A_513 = arith.cmpi ne, %rem3A_511, %ne3A_512 : i32
        %lt3A_514 = arith.constant 0 : i32
        %lt3A_515 = arith.cmpi slt, %rem3A_511, %lt3A_514 : i32
        %lt3A_516 = arith.constant 0 : i32
        %lt3A_517 = arith.cmpi slt, %select_n3A_510, %lt3A_516 : i32
        %ne3A_518 = arith.xori %lt3A_515, %lt3A_517 : i1
        %and3A_519 = arith.andi %ne3A_518, %ne3A_513 : i1
        %add3A_520 = arith.addi %rem3A_511, %select_n3A_510 : i32
        %select_n3A_521 = arith.select %and3A_519, %add3A_520, %rem3A_511 : i32
        %swap3A_522 = arith.index_cast %select_n3A_505 : i32 to index
        %swap3A_523 = arith.index_cast %select_n3A_521 : i32 to index
        %swap3A_524 = arith.constant 0 : index
        %swap3A_525 = tpu.vector_load %arg13[%swap3A_522, %swap3A_523, %swap3A_524] {strides = array<i32>} : memref<2x50x64xf16, #tpu.memory_space<vmem>>, vector<32xf16>,
        tpu.vector_store %arg13[%swap3A_522, %swap3A_523, %swap3A_524], %bitcast3A_481 {strides = array<i32>} : memref<2x50x64xf16, #tpu.memory_space<vmem>>, vector<32xf16>,
        %mul3A_526 = arith.constant 5 : i32
        %mul3A_527 = arith.muli %scan3A_172, %mul3A_526 : i32
        %add3A_528 = arith.constant 3 : i32
        %add3A_529 = arith.addi %mul3A_527, %add3A_528 : i32
        %get3A_530 = arith.index_cast %add3A_529 : i32 to index
        %get3A_531 = arith.constant 16 : index
        %get3A_532 = tpu.vector_load %arg11[%get3A_530, %get3A_531] {strides = array<i32>} : memref<100x32xi32, #tpu.memory_space<vmem>>, vector<16xi32>,
        %bitcast3A_533 = vector.bitcast %get3A_532 : vector<16xi32> to vector<32xf16>
        %jit3A_534 = arith.constant 50 : i32
        %div3A_535 = arith.divsi %add3A_529, %jit3A_534 : i32
        %sign3A_536 = arith.constant 0 : i32
        %sign3A_537 = arith.cmpi sgt, %add3A_529, %sign3A_536 : i32
        %sign3A_538 = arith.extui %sign3A_537 : i1 to i32
        %sign3A_539 = arith.constant 0 : i32
        %sign3A_540 = arith.cmpi slt, %add3A_529, %sign3A_539 : i32
        %sign3A_541 = arith.extui %sign3A_540 : i1 to i32
        %sign3A_542 = arith.subi %sign3A_538, %sign3A_541 : i32
        %sign3A_543 = arith.constant 0 : i32
        %sign3A_544 = arith.cmpi sgt, %jit3A_534, %sign3A_543 : i32
        %sign3A_545 = arith.extui %sign3A_544 : i1 to i32
        %sign3A_546 = arith.constant 0 : i32
        %sign3A_547 = arith.cmpi slt, %jit3A_534, %sign3A_546 : i32
        %sign3A_548 = arith.extui %sign3A_547 : i1 to i32
        %sign3A_549 = arith.subi %sign3A_545, %sign3A_548 : i32
        %ne3A_550 = arith.cmpi ne, %sign3A_542, %sign3A_549 : i32
        %rem3A_551 = arith.remsi %add3A_529, %jit3A_534 : i32
        %ne3A_552 = arith.constant 0 : i32
        %ne3A_553 = arith.cmpi ne, %rem3A_551, %ne3A_552 : i32
        %and3A_554 = arith.andi %ne3A_550, %ne3A_553 : i1
        %sub3A_555 = arith.constant 1 : i32
        %sub3A_556 = arith.subi %div3A_535, %sub3A_555 : i32
        %select_n3A_557 = arith.select %and3A_554, %sub3A_556, %div3A_535 : i32
        %jit3A_558 = arith.constant 50 : i32
        %eq3A_559 = arith.constant 0 : i32
        %eq3A_560 = arith.cmpi eq, %jit3A_558, %eq3A_559 : i32
        %jit3A_561 = arith.constant 1 : i32
        %select_n3A_562 = arith.select %eq3A_560, %jit3A_561, %jit3A_558 : i32
        %rem3A_563 = arith.remsi %add3A_529, %select_n3A_562 : i32
        %ne3A_564 = arith.constant 0 : i32
        %ne3A_565 = arith.cmpi ne, %rem3A_563, %ne3A_564 : i32
        %lt3A_566 = arith.constant 0 : i32
        %lt3A_567 = arith.cmpi slt, %rem3A_563, %lt3A_566 : i32
        %lt3A_568 = arith.constant 0 : i32
        %lt3A_569 = arith.cmpi slt, %select_n3A_562, %lt3A_568 : i32
        %ne3A_570 = arith.xori %lt3A_567, %lt3A_569 : i1
        %and3A_571 = arith.andi %ne3A_570, %ne3A_565 : i1
        %add3A_572 = arith.addi %rem3A_563, %select_n3A_562 : i32
        %select_n3A_573 = arith.select %and3A_571, %add3A_572, %rem3A_563 : i32
        %swap3A_574 = arith.index_cast %select_n3A_557 : i32 to index
        %swap3A_575 = arith.index_cast %select_n3A_573 : i32 to index
        %swap3A_576 = arith.constant 32 : index
        %swap3A_577 = tpu.vector_load %arg13[%swap3A_574, %swap3A_575, %swap3A_576] {strides = array<i32>} : memref<2x50x64xf16, #tpu.memory_space<vmem>>, vector<32xf16>,
        tpu.vector_store %arg13[%swap3A_574, %swap3A_575, %swap3A_576], %bitcast3A_533 {strides = array<i32>} : memref<2x50x64xf16, #tpu.memory_space<vmem>>, vector<32xf16>,
        %mul3A_578 = arith.constant 5 : i32
        %mul3A_579 = arith.muli %scan3A_172, %mul3A_578 : i32
        %add3A_580 = arith.constant 4 : i32
        %add3A_581 = arith.addi %mul3A_579, %add3A_580 : i32
        %get3A_582 = arith.index_cast %add3A_581 : i32 to index
        %get3A_583 = arith.constant 0 : index
        %get3A_584 = tpu.vector_load %arg11[%get3A_582, %get3A_583] {strides = array<i32>} : memref<100x32xi32, #tpu.memory_space<vmem>>, vector<16xi32>,
        %bitcast3A_585 = vector.bitcast %get3A_584 : vector<16xi32> to vector<32xf16>
        %jit3A_586 = arith.constant 50 : i32
        %div3A_587 = arith.divsi %add3A_581, %jit3A_586 : i32
        %sign3A_588 = arith.constant 0 : i32
        %sign3A_589 = arith.cmpi sgt, %add3A_581, %sign3A_588 : i32
        %sign3A_590 = arith.extui %sign3A_589 : i1 to i32
        %sign3A_591 = arith.constant 0 : i32
        %sign3A_592 = arith.cmpi slt, %add3A_581, %sign3A_591 : i32
        %sign3A_593 = arith.extui %sign3A_592 : i1 to i32
        %sign3A_594 = arith.subi %sign3A_590, %sign3A_593 : i32
        %sign3A_595 = arith.constant 0 : i32
        %sign3A_596 = arith.cmpi sgt, %jit3A_586, %sign3A_595 : i32
        %sign3A_597 = arith.extui %sign3A_596 : i1 to i32
        %sign3A_598 = arith.constant 0 : i32
        %sign3A_599 = arith.cmpi slt, %jit3A_586, %sign3A_598 : i32
        %sign3A_600 = arith.extui %sign3A_599 : i1 to i32
        %sign3A_601 = arith.subi %sign3A_597, %sign3A_600 : i32
        %ne3A_602 = arith.cmpi ne, %sign3A_594, %sign3A_601 : i32
        %rem3A_603 = arith.remsi %add3A_581, %jit3A_586 : i32
        %ne3A_604 = arith.constant 0 : i32
        %ne3A_605 = arith.cmpi ne, %rem3A_603, %ne3A_604 : i32
        %and3A_606 = arith.andi %ne3A_602, %ne3A_605 : i1
        %sub3A_607 = arith.constant 1 : i32
        %sub3A_608 = arith.subi %div3A_587, %sub3A_607 : i32
        %select_n3A_609 = arith.select %and3A_606, %sub3A_608, %div3A_587 : i32
        %jit3A_610 = arith.constant 50 : i32
        %eq3A_611 = arith.constant 0 : i32
        %eq3A_612 = arith.cmpi eq, %jit3A_610, %eq3A_611 : i32
        %jit3A_613 = arith.constant 1 : i32
        %select_n3A_614 = arith.select %eq3A_612, %jit3A_613, %jit3A_610 : i32
        %rem3A_615 = arith.remsi %add3A_581, %select_n3A_614 : i32
        %ne3A_616 = arith.constant 0 : i32
        %ne3A_617 = arith.cmpi ne, %rem3A_615, %ne3A_616 : i32
        %lt3A_618 = arith.constant 0 : i32
        %lt3A_619 = arith.cmpi slt, %rem3A_615, %lt3A_618 : i32
        %lt3A_620 = arith.constant 0 : i32
        %lt3A_621 = arith.cmpi slt, %select_n3A_614, %lt3A_620 : i32
        %ne3A_622 = arith.xori %lt3A_619, %lt3A_621 : i1
        %and3A_623 = arith.andi %ne3A_622, %ne3A_617 : i1
        %add3A_624 = arith.addi %rem3A_615, %select_n3A_614 : i32
        %select_n3A_625 = arith.select %and3A_623, %add3A_624, %rem3A_615 : i32
        %swap3A_626 = arith.index_cast %select_n3A_609 : i32 to index
        %swap3A_627 = arith.index_cast %select_n3A_625 : i32 to index
        %swap3A_628 = arith.constant 0 : index
        %swap3A_629 = tpu.vector_load %arg13[%swap3A_626, %swap3A_627, %swap3A_628] {strides = array<i32>} : memref<2x50x64xf16, #tpu.memory_space<vmem>>, vector<32xf16>,
        tpu.vector_store %arg13[%swap3A_626, %swap3A_627, %swap3A_628], %bitcast3A_585 {strides = array<i32>} : memref<2x50x64xf16, #tpu.memory_space<vmem>>, vector<32xf16>,
        %mul3A_630 = arith.constant 5 : i32
        %mul3A_631 = arith.muli %scan3A_172, %mul3A_630 : i32
        %add3A_632 = arith.constant 4 : i32
        %add3A_633 = arith.addi %mul3A_631, %add3A_632 : i32
        %get3A_634 = arith.index_cast %add3A_633 : i32 to index
        %get3A_635 = arith.constant 16 : index
        %get3A_636 = tpu.vector_load %arg11[%get3A_634, %get3A_635] {strides = array<i32>} : memref<100x32xi32, #tpu.memory_space<vmem>>, vector<16xi32>,
        %bitcast3A_637 = vector.bitcast %get3A_636 : vector<16xi32> to vector<32xf16>
        %jit3A_638 = arith.constant 50 : i32
        %div3A_639 = arith.divsi %add3A_633, %jit3A_638 : i32
        %sign3A_640 = arith.constant 0 : i32
        %sign3A_641 = arith.cmpi sgt, %add3A_633, %sign3A_640 : i32
        %sign3A_642 = arith.extui %sign3A_641 : i1 to i32
        %sign3A_643 = arith.constant 0 : i32
        %sign3A_644 = arith.cmpi slt, %add3A_633, %sign3A_643 : i32
        %sign3A_645 = arith.extui %sign3A_644 : i1 to i32
        %sign3A_646 = arith.subi %sign3A_642, %sign3A_645 : i32
        %sign3A_647 = arith.constant 0 : i32
        %sign3A_648 = arith.cmpi sgt, %jit3A_638, %sign3A_647 : i32
        %sign3A_649 = arith.extui %sign3A_648 : i1 to i32
        %sign3A_650 = arith.constant 0 : i32
        %sign3A_651 = arith.cmpi slt, %jit3A_638, %sign3A_650 : i32
        %sign3A_652 = arith.extui %sign3A_651 : i1 to i32
        %sign3A_653 = arith.subi %sign3A_649, %sign3A_652 : i32
        %ne3A_654 = arith.cmpi ne, %sign3A_646, %sign3A_653 : i32
        %rem3A_655 = arith.remsi %add3A_633, %jit3A_638 : i32
        %ne3A_656 = arith.constant 0 : i32
        %ne3A_657 = arith.cmpi ne, %rem3A_655, %ne3A_656 : i32
        %and3A_658 = arith.andi %ne3A_654, %ne3A_657 : i1
        %sub3A_659 = arith.constant 1 : i32
        %sub3A_660 = arith.subi %div3A_639, %sub3A_659 : i32
        %select_n3A_661 = arith.select %and3A_658, %sub3A_660, %div3A_639 : i32
        %jit3A_662 = arith.constant 50 : i32
        %eq3A_663 = arith.constant 0 : i32
        %eq3A_664 = arith.cmpi eq, %jit3A_662, %eq3A_663 : i32
        %jit3A_665 = arith.constant 1 : i32
        %select_n3A_666 = arith.select %eq3A_664, %jit3A_665, %jit3A_662 : i32
        %rem3A_667 = arith.remsi %add3A_633, %select_n3A_666 : i32
        %ne3A_668 = arith.constant 0 : i32
        %ne3A_669 = arith.cmpi ne, %rem3A_667, %ne3A_668 : i32
        %lt3A_670 = arith.constant 0 : i32
        %lt3A_671 = arith.cmpi slt, %rem3A_667, %lt3A_670 : i32
        %lt3A_672 = arith.constant 0 : i32
        %lt3A_673 = arith.cmpi slt, %select_n3A_666, %lt3A_672 : i32
        %ne3A_674 = arith.xori %lt3A_671, %lt3A_673 : i1
        %and3A_675 = arith.andi %ne3A_674, %ne3A_669 : i1
        %add3A_676 = arith.addi %rem3A_667, %select_n3A_666 : i32
        %select_n3A_677 = arith.select %and3A_675, %add3A_676, %rem3A_667 : i32
        %swap3A_678 = arith.index_cast %select_n3A_661 : i32 to index
        %swap3A_679 = arith.index_cast %select_n3A_677 : i32 to index
        %swap3A_680 = arith.constant 32 : index
        %swap3A_681 = tpu.vector_load %arg13[%swap3A_678, %swap3A_679, %swap3A_680] {strides = array<i32>} : memref<2x50x64xf16, #tpu.memory_space<vmem>>, vector<32xf16>,
        tpu.vector_store %arg13[%swap3A_678, %swap3A_679, %swap3A_680], %bitcast3A_637 {strides = array<i32>} : memref<2x50x64xf16, #tpu.memory_space<vmem>>, vector<32xf16>,
      }
      %scan3A_148 = arith.constant 20 : i32
      %mul3A_149 = arith.constant 2 : i32
      %mul3A_150 = arith.muli %mul3A_149, %mul3A_129 : i32
      %add3A_151 = arith.addi %mul3A_113, %mul3A_150 : i32
      %run_scoped3A = arith.constant 0 : i32
      "tpu.region"() ({
        %run_scoped3A_172 = tpu.sem_alloc : memref<!tpu.dma_semaphore, #tpu.memory_space<semaphore_mem>>
        %dma_start3A_173 = arith.constant 0 : i32
        %dma_start3A_174 = arith.constant 0 : i32
        %dma_start3A_175 = tpu.memref_slice %arg4[%run_scoped3A, %add3A_151, %dma_start3A_173, %dma_start3A_174] : memref<1x16384x50x64xf16, #tpu.memory_space<hbm>> -> memref<1x2x50x64xf16, #tpu.memory_space<hbm>>
        %dma_start3A_176 = tpu.memref_squeeze %dma_start3A_175 : memref<1x2x50x64xf16, #tpu.memory_space<hbm>> -> memref<2x50x64xf16, #tpu.memory_space<hbm>>
        %dma_start3A_177 = arith.constant 0 : i32
        %dma_start3A_178 = arith.constant 0 : i32
        %dma_start3A_179 = tpu.memref_slice %arg4[%run_scoped3A, %add3A_151, %dma_start3A_177, %dma_start3A_178] : memref<1x16384x50x64xf16, #tpu.memory_space<hbm>> -> memref<1x2x50x64xf16, #tpu.memory_space<hbm>>
        %dma_start3A_180 = tpu.memref_squeeze %dma_start3A_179 : memref<1x2x50x64xf16, #tpu.memory_space<hbm>> -> memref<2x50x64xf16, #tpu.memory_space<hbm>>
        tpu.enqueue_dma source(%arg13 : memref<2x50x64xf16, #tpu.memory_space<vmem>>) target(%dma_start3A_180 : memref<2x50x64xf16, #tpu.memory_space<hbm>>) target_semaphore(%run_scoped3A_172 : memref<!tpu.dma_semaphore, #tpu.memory_space<semaphore_mem>>)
        %dma_wait3A_181 = arith.constant 0 : i32
        %dma_wait3A_182 = arith.constant 0 : i32
        %dma_wait3A_183 = tpu.memref_slice %arg4[%run_scoped3A, %add3A_151, %dma_wait3A_181, %dma_wait3A_182] : memref<1x16384x50x64xf16, #tpu.memory_space<hbm>> -> memref<1x2x50x64xf16, #tpu.memory_space<hbm>>
        %dma_wait3A_184 = tpu.memref_squeeze %dma_wait3A_183 : memref<1x2x50x64xf16, #tpu.memory_space<hbm>> -> memref<2x50x64xf16, #tpu.memory_space<hbm>>
        %dma_wait3A_185 = arith.constant 0 : i32
        %dma_wait3A_186 = arith.constant 0 : i32
        %dma_wait3A_187 = tpu.memref_slice %arg4[%run_scoped3A, %add3A_151, %dma_wait3A_185, %dma_wait3A_186] : memref<1x16384x50x64xf16, #tpu.memory_space<hbm>> -> memref<1x2x50x64xf16, #tpu.memory_space<hbm>>
        %dma_wait3A_188 = tpu.memref_squeeze %dma_wait3A_187 : memref<1x2x50x64xf16, #tpu.memory_space<hbm>> -> memref<2x50x64xf16, #tpu.memory_space<hbm>>
        tpu.wait_dma2 semaphore(%run_scoped3A_172 : memref<!tpu.dma_semaphore, #tpu.memory_space<semaphore_mem>>) src(%arg13 : memref<2x50x64xf16, #tpu.memory_space<vmem>>) dst(%dma_wait3A_188 : memref<2x50x64xf16, #tpu.memory_space<hbm>>)
        tpu.yield
      }) : () -> ()
      %lt3A = arith.constant 127 : i32
      %lt3A_152 = arith.cmpi slt, %scan3A_127, %lt3A : i32
      %convert_element_type3A = arith.extui %lt3A_152 : i1 to i32
      %cond3A = arith.constant 0 : i32
      %cond3A_153 = arith.cmpi ne, %convert_element_type3A, %cond3A : i32
      scf.if %cond3A_153 {
        %add3A_172 = arith.constant 2 : i32
        %add3A_173 = arith.addi %mul3A_129, %add3A_172 : i32
        %dma_start3A_174 = arith.constant 0 : i32
        %dma_start3A_175 = tpu.memref_slice %arg10[%add3A_173, %dma_start3A_174] : memref<256x100xi32, #tpu.memory_space<vmem>> -> memref<1x100xi32, #tpu.memory_space<vmem>>
        %dma_start3A_176 = tpu.memref_squeeze %dma_start3A_175 : memref<1x100xi32, #tpu.memory_space<vmem>> -> memref<100xi32, #tpu.memory_space<vmem>>
        %dma_start3A_177 = arith.constant 0 : i32
        %dma_start3A_178 = arith.constant 0 : i32
        %dma_start3A_179 = tpu.memref_slice %arg6[%dma_start3A_177, %dma_start3A_178] : memref<1000000x32xi32, #tpu.memory_space<hbm>> -> memref<1000000x32xi32, #tpu.memory_space<hbm>>
        tpu.enqueue_indirect_dma source(%dma_start3A_179 : memref<1000000x32xi32, #tpu.memory_space<hbm>>) target(%arg11 : memref<100x32xi32, #tpu.memory_space<vmem>>) offsets(%dma_start3A_176 : memref<100xi32, #tpu.memory_space<vmem>>) semaphore(%arg16 : memref<!tpu.dma_semaphore, #tpu.memory_space<semaphore_mem>>)
      } else {
      }
      %dma_wait3A_154 = arith.constant 0 : i32
      %dma_wait3A_155 = arith.constant 0 : i32
      %dma_wait3A_156 = tpu.memref_slice %arg6[%dma_wait3A_154, %dma_wait3A_155] : memref<1000000x32xi32, #tpu.memory_space<hbm>> -> memref<100x32xi32, #tpu.memory_space<hbm>>
      %dma_wait3A_157 = arith.constant 0 : i32
      %dma_wait3A_158 = arith.constant 0 : i32
      %dma_wait3A_159 = tpu.memref_slice %arg6[%dma_wait3A_157, %dma_wait3A_158] : memref<1000000x32xi32, #tpu.memory_space<hbm>> -> memref<100x32xi32, #tpu.memory_space<hbm>>
      tpu.wait_dma2 semaphore(%arg17 : memref<!tpu.dma_semaphore, #tpu.memory_space<semaphore_mem>>) src(%dma_wait3A_159 : memref<100x32xi32, #tpu.memory_space<hbm>>) dst(%arg12 : memref<100x32xi32, #tpu.memory_space<vmem>>)
      %add3A_160 = arith.constant 1 : i32
      %add3A_161 = arith.addi %mul3A_129, %add3A_160 : i32
      %scan3A_162 = arith.constant 0 : i32
      %scan3A_163 = arith.constant 0 : i32
      %scan3A_164 = arith.constant 20 : i32
      %scan3A_165 = arith.addi %scan3A_163, %scan3A_164 : i32
      %scan3A_166 = arith.constant 1 : i32
      scf.for %scan3A_172 = %scan3A_163 to %scan3A_165 step %scan3A_166  : i32 {
        %mul3A_173 = arith.constant 5 : i32
        %mul3A_174 = arith.muli %scan3A_172, %mul3A_173 : i32
        %add3A_175 = arith.constant 0 : i32
        %add3A_176 = arith.addi %mul3A_174, %add3A_175 : i32
        %get3A = arith.index_cast %add3A_176 : i32 to index
        %get3A_177 = arith.constant 0 : index
        %get3A_178 = tpu.vector_load %arg12[%get3A, %get3A_177] {strides = array<i32>} : memref<100x32xi32, #tpu.memory_space<vmem>>, vector<16xi32>,
        %bitcast3A = vector.bitcast %get3A_178 : vector<16xi32> to vector<32xf16>
        %jit3A = arith.constant 50 : i32
        %div3A = arith.divsi %add3A_176, %jit3A : i32
        %sign3A = arith.constant 0 : i32
        %sign3A_179 = arith.cmpi sgt, %add3A_176, %sign3A : i32
        %sign3A_180 = arith.extui %sign3A_179 : i1 to i32
        %sign3A_181 = arith.constant 0 : i32
        %sign3A_182 = arith.cmpi slt, %add3A_176, %sign3A_181 : i32
        %sign3A_183 = arith.extui %sign3A_182 : i1 to i32
        %sign3A_184 = arith.subi %sign3A_180, %sign3A_183 : i32
        %sign3A_185 = arith.constant 0 : i32
        %sign3A_186 = arith.cmpi sgt, %jit3A, %sign3A_185 : i32
        %sign3A_187 = arith.extui %sign3A_186 : i1 to i32
        %sign3A_188 = arith.constant 0 : i32
        %sign3A_189 = arith.cmpi slt, %jit3A, %sign3A_188 : i32
        %sign3A_190 = arith.extui %sign3A_189 : i1 to i32
        %sign3A_191 = arith.subi %sign3A_187, %sign3A_190 : i32
        %ne3A = arith.cmpi ne, %sign3A_184, %sign3A_191 : i32
        %rem3A = arith.remsi %add3A_176, %jit3A : i32
        %ne3A_192 = arith.constant 0 : i32
        %ne3A_193 = arith.cmpi ne, %rem3A, %ne3A_192 : i32
        %and3A = arith.andi %ne3A, %ne3A_193 : i1
        %sub3A = arith.constant 1 : i32
        %sub3A_194 = arith.subi %div3A, %sub3A : i32
        %select_n3A = arith.select %and3A, %sub3A_194, %div3A : i32
        %jit3A_195 = arith.constant 50 : i32
        %eq3A = arith.constant 0 : i32
        %eq3A_196 = arith.cmpi eq, %jit3A_195, %eq3A : i32
        %jit3A_197 = arith.constant 1 : i32
        %select_n3A_198 = arith.select %eq3A_196, %jit3A_197, %jit3A_195 : i32
        %rem3A_199 = arith.remsi %add3A_176, %select_n3A_198 : i32
        %ne3A_200 = arith.constant 0 : i32
        %ne3A_201 = arith.cmpi ne, %rem3A_199, %ne3A_200 : i32
        %lt3A_202 = arith.constant 0 : i32
        %lt3A_203 = arith.cmpi slt, %rem3A_199, %lt3A_202 : i32
        %lt3A_204 = arith.constant 0 : i32
        %lt3A_205 = arith.cmpi slt, %select_n3A_198, %lt3A_204 : i32
        %ne3A_206 = arith.xori %lt3A_203, %lt3A_205 : i1
        %and3A_207 = arith.andi %ne3A_206, %ne3A_201 : i1
        %add3A_208 = arith.addi %rem3A_199, %select_n3A_198 : i32
        %select_n3A_209 = arith.select %and3A_207, %add3A_208, %rem3A_199 : i32
        %swap3A_210 = arith.index_cast %select_n3A : i32 to index
        %swap3A_211 = arith.index_cast %select_n3A_209 : i32 to index
        %swap3A_212 = arith.constant 0 : index
        %swap3A_213 = tpu.vector_load %arg13[%swap3A_210, %swap3A_211, %swap3A_212] {strides = array<i32>} : memref<2x50x64xf16, #tpu.memory_space<vmem>>, vector<32xf16>,
        tpu.vector_store %arg13[%swap3A_210, %swap3A_211, %swap3A_212], %bitcast3A {strides = array<i32>} : memref<2x50x64xf16, #tpu.memory_space<vmem>>, vector<32xf16>,
        %mul3A_214 = arith.constant 5 : i32
        %mul3A_215 = arith.muli %scan3A_172, %mul3A_214 : i32
        %add3A_216 = arith.constant 0 : i32
        %add3A_217 = arith.addi %mul3A_215, %add3A_216 : i32
        %get3A_218 = arith.index_cast %add3A_217 : i32 to index
        %get3A_219 = arith.constant 16 : index
        %get3A_220 = tpu.vector_load %arg12[%get3A_218, %get3A_219] {strides = array<i32>} : memref<100x32xi32, #tpu.memory_space<vmem>>, vector<16xi32>,
        %bitcast3A_221 = vector.bitcast %get3A_220 : vector<16xi32> to vector<32xf16>
        %jit3A_222 = arith.constant 50 : i32
        %div3A_223 = arith.divsi %add3A_217, %jit3A_222 : i32
        %sign3A_224 = arith.constant 0 : i32
        %sign3A_225 = arith.cmpi sgt, %add3A_217, %sign3A_224 : i32
        %sign3A_226 = arith.extui %sign3A_225 : i1 to i32
        %sign3A_227 = arith.constant 0 : i32
        %sign3A_228 = arith.cmpi slt, %add3A_217, %sign3A_227 : i32
        %sign3A_229 = arith.extui %sign3A_228 : i1 to i32
        %sign3A_230 = arith.subi %sign3A_226, %sign3A_229 : i32
        %sign3A_231 = arith.constant 0 : i32
        %sign3A_232 = arith.cmpi sgt, %jit3A_222, %sign3A_231 : i32
        %sign3A_233 = arith.extui %sign3A_232 : i1 to i32
        %sign3A_234 = arith.constant 0 : i32
        %sign3A_235 = arith.cmpi slt, %jit3A_222, %sign3A_234 : i32
        %sign3A_236 = arith.extui %sign3A_235 : i1 to i32
        %sign3A_237 = arith.subi %sign3A_233, %sign3A_236 : i32
        %ne3A_238 = arith.cmpi ne, %sign3A_230, %sign3A_237 : i32
        %rem3A_239 = arith.remsi %add3A_217, %jit3A_222 : i32
        %ne3A_240 = arith.constant 0 : i32
        %ne3A_241 = arith.cmpi ne, %rem3A_239, %ne3A_240 : i32
        %and3A_242 = arith.andi %ne3A_238, %ne3A_241 : i1
        %sub3A_243 = arith.constant 1 : i32
        %sub3A_244 = arith.subi %div3A_223, %sub3A_243 : i32
        %select_n3A_245 = arith.select %and3A_242, %sub3A_244, %div3A_223 : i32
        %jit3A_246 = arith.constant 50 : i32
        %eq3A_247 = arith.constant 0 : i32
        %eq3A_248 = arith.cmpi eq, %jit3A_246, %eq3A_247 : i32
        %jit3A_249 = arith.constant 1 : i32
        %select_n3A_250 = arith.select %eq3A_248, %jit3A_249, %jit3A_246 : i32
        %rem3A_251 = arith.remsi %add3A_217, %select_n3A_250 : i32
        %ne3A_252 = arith.constant 0 : i32
        %ne3A_253 = arith.cmpi ne, %rem3A_251, %ne3A_252 : i32
        %lt3A_254 = arith.constant 0 : i32
        %lt3A_255 = arith.cmpi slt, %rem3A_251, %lt3A_254 : i32
        %lt3A_256 = arith.constant 0 : i32
        %lt3A_257 = arith.cmpi slt, %select_n3A_250, %lt3A_256 : i32
        %ne3A_258 = arith.xori %lt3A_255, %lt3A_257 : i1
        %and3A_259 = arith.andi %ne3A_258, %ne3A_253 : i1
        %add3A_260 = arith.addi %rem3A_251, %select_n3A_250 : i32
        %select_n3A_261 = arith.select %and3A_259, %add3A_260, %rem3A_251 : i32
        %swap3A_262 = arith.index_cast %select_n3A_245 : i32 to index
        %swap3A_263 = arith.index_cast %select_n3A_261 : i32 to index
        %swap3A_264 = arith.constant 32 : index
        %swap3A_265 = tpu.vector_load %arg13[%swap3A_262, %swap3A_263, %swap3A_264] {strides = array<i32>} : memref<2x50x64xf16, #tpu.memory_space<vmem>>, vector<32xf16>,
        tpu.vector_store %arg13[%swap3A_262, %swap3A_263, %swap3A_264], %bitcast3A_221 {strides = array<i32>} : memref<2x50x64xf16, #tpu.memory_space<vmem>>, vector<32xf16>,
        %mul3A_266 = arith.constant 5 : i32
        %mul3A_267 = arith.muli %scan3A_172, %mul3A_266 : i32
        %add3A_268 = arith.constant 1 : i32
        %add3A_269 = arith.addi %mul3A_267, %add3A_268 : i32
        %get3A_270 = arith.index_cast %add3A_269 : i32 to index
        %get3A_271 = arith.constant 0 : index
        %get3A_272 = tpu.vector_load %arg12[%get3A_270, %get3A_271] {strides = array<i32>} : memref<100x32xi32, #tpu.memory_space<vmem>>, vector<16xi32>,
        %bitcast3A_273 = vector.bitcast %get3A_272 : vector<16xi32> to vector<32xf16>
        %jit3A_274 = arith.constant 50 : i32
        %div3A_275 = arith.divsi %add3A_269, %jit3A_274 : i32
        %sign3A_276 = arith.constant 0 : i32
        %sign3A_277 = arith.cmpi sgt, %add3A_269, %sign3A_276 : i32
        %sign3A_278 = arith.extui %sign3A_277 : i1 to i32
        %sign3A_279 = arith.constant 0 : i32
        %sign3A_280 = arith.cmpi slt, %add3A_269, %sign3A_279 : i32
        %sign3A_281 = arith.extui %sign3A_280 : i1 to i32
        %sign3A_282 = arith.subi %sign3A_278, %sign3A_281 : i32
        %sign3A_283 = arith.constant 0 : i32
        %sign3A_284 = arith.cmpi sgt, %jit3A_274, %sign3A_283 : i32
        %sign3A_285 = arith.extui %sign3A_284 : i1 to i32
        %sign3A_286 = arith.constant 0 : i32
        %sign3A_287 = arith.cmpi slt, %jit3A_274, %sign3A_286 : i32
        %sign3A_288 = arith.extui %sign3A_287 : i1 to i32
        %sign3A_289 = arith.subi %sign3A_285, %sign3A_288 : i32
        %ne3A_290 = arith.cmpi ne, %sign3A_282, %sign3A_289 : i32
        %rem3A_291 = arith.remsi %add3A_269, %jit3A_274 : i32
        %ne3A_292 = arith.constant 0 : i32
        %ne3A_293 = arith.cmpi ne, %rem3A_291, %ne3A_292 : i32
        %and3A_294 = arith.andi %ne3A_290, %ne3A_293 : i1
        %sub3A_295 = arith.constant 1 : i32
        %sub3A_296 = arith.subi %div3A_275, %sub3A_295 : i32
        %select_n3A_297 = arith.select %and3A_294, %sub3A_296, %div3A_275 : i32
        %jit3A_298 = arith.constant 50 : i32
        %eq3A_299 = arith.constant 0 : i32
        %eq3A_300 = arith.cmpi eq, %jit3A_298, %eq3A_299 : i32
        %jit3A_301 = arith.constant 1 : i32
        %select_n3A_302 = arith.select %eq3A_300, %jit3A_301, %jit3A_298 : i32
        %rem3A_303 = arith.remsi %add3A_269, %select_n3A_302 : i32
        %ne3A_304 = arith.constant 0 : i32
        %ne3A_305 = arith.cmpi ne, %rem3A_303, %ne3A_304 : i32
        %lt3A_306 = arith.constant 0 : i32
        %lt3A_307 = arith.cmpi slt, %rem3A_303, %lt3A_306 : i32
        %lt3A_308 = arith.constant 0 : i32
        %lt3A_309 = arith.cmpi slt, %select_n3A_302, %lt3A_308 : i32
        %ne3A_310 = arith.xori %lt3A_307, %lt3A_309 : i1
        %and3A_311 = arith.andi %ne3A_310, %ne3A_305 : i1
        %add3A_312 = arith.addi %rem3A_303, %select_n3A_302 : i32
        %select_n3A_313 = arith.select %and3A_311, %add3A_312, %rem3A_303 : i32
        %swap3A_314 = arith.index_cast %select_n3A_297 : i32 to index
        %swap3A_315 = arith.index_cast %select_n3A_313 : i32 to index
        %swap3A_316 = arith.constant 0 : index
        %swap3A_317 = tpu.vector_load %arg13[%swap3A_314, %swap3A_315, %swap3A_316] {strides = array<i32>} : memref<2x50x64xf16, #tpu.memory_space<vmem>>, vector<32xf16>,
        tpu.vector_store %arg13[%swap3A_314, %swap3A_315, %swap3A_316], %bitcast3A_273 {strides = array<i32>} : memref<2x50x64xf16, #tpu.memory_space<vmem>>, vector<32xf16>,
        %mul3A_318 = arith.constant 5 : i32
        %mul3A_319 = arith.muli %scan3A_172, %mul3A_318 : i32
        %add3A_320 = arith.constant 1 : i32
        %add3A_321 = arith.addi %mul3A_319, %add3A_320 : i32
        %get3A_322 = arith.index_cast %add3A_321 : i32 to index
        %get3A_323 = arith.constant 16 : index
        %get3A_324 = tpu.vector_load %arg12[%get3A_322, %get3A_323] {strides = array<i32>} : memref<100x32xi32, #tpu.memory_space<vmem>>, vector<16xi32>,
        %bitcast3A_325 = vector.bitcast %get3A_324 : vector<16xi32> to vector<32xf16>
        %jit3A_326 = arith.constant 50 : i32
        %div3A_327 = arith.divsi %add3A_321, %jit3A_326 : i32
        %sign3A_328 = arith.constant 0 : i32
        %sign3A_329 = arith.cmpi sgt, %add3A_321, %sign3A_328 : i32
        %sign3A_330 = arith.extui %sign3A_329 : i1 to i32
        %sign3A_331 = arith.constant 0 : i32
        %sign3A_332 = arith.cmpi slt, %add3A_321, %sign3A_331 : i32
        %sign3A_333 = arith.extui %sign3A_332 : i1 to i32
        %sign3A_334 = arith.subi %sign3A_330, %sign3A_333 : i32
        %sign3A_335 = arith.constant 0 : i32
        %sign3A_336 = arith.cmpi sgt, %jit3A_326, %sign3A_335 : i32
        %sign3A_337 = arith.extui %sign3A_336 : i1 to i32
        %sign3A_338 = arith.constant 0 : i32
        %sign3A_339 = arith.cmpi slt, %jit3A_326, %sign3A_338 : i32
        %sign3A_340 = arith.extui %sign3A_339 : i1 to i32
        %sign3A_341 = arith.subi %sign3A_337, %sign3A_340 : i32
        %ne3A_342 = arith.cmpi ne, %sign3A_334, %sign3A_341 : i32
        %rem3A_343 = arith.remsi %add3A_321, %jit3A_326 : i32
        %ne3A_344 = arith.constant 0 : i32
        %ne3A_345 = arith.cmpi ne, %rem3A_343, %ne3A_344 : i32
        %and3A_346 = arith.andi %ne3A_342, %ne3A_345 : i1
        %sub3A_347 = arith.constant 1 : i32
        %sub3A_348 = arith.subi %div3A_327, %sub3A_347 : i32
        %select_n3A_349 = arith.select %and3A_346, %sub3A_348, %div3A_327 : i32
        %jit3A_350 = arith.constant 50 : i32
        %eq3A_351 = arith.constant 0 : i32
        %eq3A_352 = arith.cmpi eq, %jit3A_350, %eq3A_351 : i32
        %jit3A_353 = arith.constant 1 : i32
        %select_n3A_354 = arith.select %eq3A_352, %jit3A_353, %jit3A_350 : i32
        %rem3A_355 = arith.remsi %add3A_321, %select_n3A_354 : i32
        %ne3A_356 = arith.constant 0 : i32
        %ne3A_357 = arith.cmpi ne, %rem3A_355, %ne3A_356 : i32
        %lt3A_358 = arith.constant 0 : i32
        %lt3A_359 = arith.cmpi slt, %rem3A_355, %lt3A_358 : i32
        %lt3A_360 = arith.constant 0 : i32
        %lt3A_361 = arith.cmpi slt, %select_n3A_354, %lt3A_360 : i32
        %ne3A_362 = arith.xori %lt3A_359, %lt3A_361 : i1
        %and3A_363 = arith.andi %ne3A_362, %ne3A_357 : i1
        %add3A_364 = arith.addi %rem3A_355, %select_n3A_354 : i32
        %select_n3A_365 = arith.select %and3A_363, %add3A_364, %rem3A_355 : i32
        %swap3A_366 = arith.index_cast %select_n3A_349 : i32 to index
        %swap3A_367 = arith.index_cast %select_n3A_365 : i32 to index
        %swap3A_368 = arith.constant 32 : index
        %swap3A_369 = tpu.vector_load %arg13[%swap3A_366, %swap3A_367, %swap3A_368] {strides = array<i32>} : memref<2x50x64xf16, #tpu.memory_space<vmem>>, vector<32xf16>,
        tpu.vector_store %arg13[%swap3A_366, %swap3A_367, %swap3A_368], %bitcast3A_325 {strides = array<i32>} : memref<2x50x64xf16, #tpu.memory_space<vmem>>, vector<32xf16>,
        %mul3A_370 = arith.constant 5 : i32
        %mul3A_371 = arith.muli %scan3A_172, %mul3A_370 : i32
        %add3A_372 = arith.constant 2 : i32
        %add3A_373 = arith.addi %mul3A_371, %add3A_372 : i32
        %get3A_374 = arith.index_cast %add3A_373 : i32 to index
        %get3A_375 = arith.constant 0 : index
        %get3A_376 = tpu.vector_load %arg12[%get3A_374, %get3A_375] {strides = array<i32>} : memref<100x32xi32, #tpu.memory_space<vmem>>, vector<16xi32>,
        %bitcast3A_377 = vector.bitcast %get3A_376 : vector<16xi32> to vector<32xf16>
        %jit3A_378 = arith.constant 50 : i32
        %div3A_379 = arith.divsi %add3A_373, %jit3A_378 : i32
        %sign3A_380 = arith.constant 0 : i32
        %sign3A_381 = arith.cmpi sgt, %add3A_373, %sign3A_380 : i32
        %sign3A_382 = arith.extui %sign3A_381 : i1 to i32
        %sign3A_383 = arith.constant 0 : i32
        %sign3A_384 = arith.cmpi slt, %add3A_373, %sign3A_383 : i32
        %sign3A_385 = arith.extui %sign3A_384 : i1 to i32
        %sign3A_386 = arith.subi %sign3A_382, %sign3A_385 : i32
        %sign3A_387 = arith.constant 0 : i32
        %sign3A_388 = arith.cmpi sgt, %jit3A_378, %sign3A_387 : i32
        %sign3A_389 = arith.extui %sign3A_388 : i1 to i32
        %sign3A_390 = arith.constant 0 : i32
        %sign3A_391 = arith.cmpi slt, %jit3A_378, %sign3A_390 : i32
        %sign3A_392 = arith.extui %sign3A_391 : i1 to i32
        %sign3A_393 = arith.subi %sign3A_389, %sign3A_392 : i32
        %ne3A_394 = arith.cmpi ne, %sign3A_386, %sign3A_393 : i32
        %rem3A_395 = arith.remsi %add3A_373, %jit3A_378 : i32
        %ne3A_396 = arith.constant 0 : i32
        %ne3A_397 = arith.cmpi ne, %rem3A_395, %ne3A_396 : i32
        %and3A_398 = arith.andi %ne3A_394, %ne3A_397 : i1
        %sub3A_399 = arith.constant 1 : i32
        %sub3A_400 = arith.subi %div3A_379, %sub3A_399 : i32
        %select_n3A_401 = arith.select %and3A_398, %sub3A_400, %div3A_379 : i32
        %jit3A_402 = arith.constant 50 : i32
        %eq3A_403 = arith.constant 0 : i32
        %eq3A_404 = arith.cmpi eq, %jit3A_402, %eq3A_403 : i32
        %jit3A_405 = arith.constant 1 : i32
        %select_n3A_406 = arith.select %eq3A_404, %jit3A_405, %jit3A_402 : i32
        %rem3A_407 = arith.remsi %add3A_373, %select_n3A_406 : i32
        %ne3A_408 = arith.constant 0 : i32
        %ne3A_409 = arith.cmpi ne, %rem3A_407, %ne3A_408 : i32
        %lt3A_410 = arith.constant 0 : i32
        %lt3A_411 = arith.cmpi slt, %rem3A_407, %lt3A_410 : i32
        %lt3A_412 = arith.constant 0 : i32
        %lt3A_413 = arith.cmpi slt, %select_n3A_406, %lt3A_412 : i32
        %ne3A_414 = arith.xori %lt3A_411, %lt3A_413 : i1
        %and3A_415 = arith.andi %ne3A_414, %ne3A_409 : i1
        %add3A_416 = arith.addi %rem3A_407, %select_n3A_406 : i32
        %select_n3A_417 = arith.select %and3A_415, %add3A_416, %rem3A_407 : i32
        %swap3A_418 = arith.index_cast %select_n3A_401 : i32 to index
        %swap3A_419 = arith.index_cast %select_n3A_417 : i32 to index
        %swap3A_420 = arith.constant 0 : index
        %swap3A_421 = tpu.vector_load %arg13[%swap3A_418, %swap3A_419, %swap3A_420] {strides = array<i32>} : memref<2x50x64xf16, #tpu.memory_space<vmem>>, vector<32xf16>,
        tpu.vector_store %arg13[%swap3A_418, %swap3A_419, %swap3A_420], %bitcast3A_377 {strides = array<i32>} : memref<2x50x64xf16, #tpu.memory_space<vmem>>, vector<32xf16>,
        %mul3A_422 = arith.constant 5 : i32
        %mul3A_423 = arith.muli %scan3A_172, %mul3A_422 : i32
        %add3A_424 = arith.constant 2 : i32
        %add3A_425 = arith.addi %mul3A_423, %add3A_424 : i32
        %get3A_426 = arith.index_cast %add3A_425 : i32 to index
        %get3A_427 = arith.constant 16 : index
        %get3A_428 = tpu.vector_load %arg12[%get3A_426, %get3A_427] {strides = array<i32>} : memref<100x32xi32, #tpu.memory_space<vmem>>, vector<16xi32>,
        %bitcast3A_429 = vector.bitcast %get3A_428 : vector<16xi32> to vector<32xf16>
        %jit3A_430 = arith.constant 50 : i32
        %div3A_431 = arith.divsi %add3A_425, %jit3A_430 : i32
        %sign3A_432 = arith.constant 0 : i32
        %sign3A_433 = arith.cmpi sgt, %add3A_425, %sign3A_432 : i32
        %sign3A_434 = arith.extui %sign3A_433 : i1 to i32
        %sign3A_435 = arith.constant 0 : i32
        %sign3A_436 = arith.cmpi slt, %add3A_425, %sign3A_435 : i32
        %sign3A_437 = arith.extui %sign3A_436 : i1 to i32
        %sign3A_438 = arith.subi %sign3A_434, %sign3A_437 : i32
        %sign3A_439 = arith.constant 0 : i32
        %sign3A_440 = arith.cmpi sgt, %jit3A_430, %sign3A_439 : i32
        %sign3A_441 = arith.extui %sign3A_440 : i1 to i32
        %sign3A_442 = arith.constant 0 : i32
        %sign3A_443 = arith.cmpi slt, %jit3A_430, %sign3A_442 : i32
        %sign3A_444 = arith.extui %sign3A_443 : i1 to i32
        %sign3A_445 = arith.subi %sign3A_441, %sign3A_444 : i32
        %ne3A_446 = arith.cmpi ne, %sign3A_438, %sign3A_445 : i32
        %rem3A_447 = arith.remsi %add3A_425, %jit3A_430 : i32
        %ne3A_448 = arith.constant 0 : i32
        %ne3A_449 = arith.cmpi ne, %rem3A_447, %ne3A_448 : i32
        %and3A_450 = arith.andi %ne3A_446, %ne3A_449 : i1
        %sub3A_451 = arith.constant 1 : i32
        %sub3A_452 = arith.subi %div3A_431, %sub3A_451 : i32
        %select_n3A_453 = arith.select %and3A_450, %sub3A_452, %div3A_431 : i32
        %jit3A_454 = arith.constant 50 : i32
        %eq3A_455 = arith.constant 0 : i32
        %eq3A_456 = arith.cmpi eq, %jit3A_454, %eq3A_455 : i32
        %jit3A_457 = arith.constant 1 : i32
        %select_n3A_458 = arith.select %eq3A_456, %jit3A_457, %jit3A_454 : i32
        %rem3A_459 = arith.remsi %add3A_425, %select_n3A_458 : i32
        %ne3A_460 = arith.constant 0 : i32
        %ne3A_461 = arith.cmpi ne, %rem3A_459, %ne3A_460 : i32
        %lt3A_462 = arith.constant 0 : i32
        %lt3A_463 = arith.cmpi slt, %rem3A_459, %lt3A_462 : i32
        %lt3A_464 = arith.constant 0 : i32
        %lt3A_465 = arith.cmpi slt, %select_n3A_458, %lt3A_464 : i32
        %ne3A_466 = arith.xori %lt3A_463, %lt3A_465 : i1
        %and3A_467 = arith.andi %ne3A_466, %ne3A_461 : i1
        %add3A_468 = arith.addi %rem3A_459, %select_n3A_458 : i32
        %select_n3A_469 = arith.select %and3A_467, %add3A_468, %rem3A_459 : i32
        %swap3A_470 = arith.index_cast %select_n3A_453 : i32 to index
        %swap3A_471 = arith.index_cast %select_n3A_469 : i32 to index
        %swap3A_472 = arith.constant 32 : index
        %swap3A_473 = tpu.vector_load %arg13[%swap3A_470, %swap3A_471, %swap3A_472] {strides = array<i32>} : memref<2x50x64xf16, #tpu.memory_space<vmem>>, vector<32xf16>,
        tpu.vector_store %arg13[%swap3A_470, %swap3A_471, %swap3A_472], %bitcast3A_429 {strides = array<i32>} : memref<2x50x64xf16, #tpu.memory_space<vmem>>, vector<32xf16>,
        %mul3A_474 = arith.constant 5 : i32
        %mul3A_475 = arith.muli %scan3A_172, %mul3A_474 : i32
        %add3A_476 = arith.constant 3 : i32
        %add3A_477 = arith.addi %mul3A_475, %add3A_476 : i32
        %get3A_478 = arith.index_cast %add3A_477 : i32 to index
        %get3A_479 = arith.constant 0 : index
        %get3A_480 = tpu.vector_load %arg12[%get3A_478, %get3A_479] {strides = array<i32>} : memref<100x32xi32, #tpu.memory_space<vmem>>, vector<16xi32>,
        %bitcast3A_481 = vector.bitcast %get3A_480 : vector<16xi32> to vector<32xf16>
        %jit3A_482 = arith.constant 50 : i32
        %div3A_483 = arith.divsi %add3A_477, %jit3A_482 : i32
        %sign3A_484 = arith.constant 0 : i32
        %sign3A_485 = arith.cmpi sgt, %add3A_477, %sign3A_484 : i32
        %sign3A_486 = arith.extui %sign3A_485 : i1 to i32
        %sign3A_487 = arith.constant 0 : i32
        %sign3A_488 = arith.cmpi slt, %add3A_477, %sign3A_487 : i32
        %sign3A_489 = arith.extui %sign3A_488 : i1 to i32
        %sign3A_490 = arith.subi %sign3A_486, %sign3A_489 : i32
        %sign3A_491 = arith.constant 0 : i32
        %sign3A_492 = arith.cmpi sgt, %jit3A_482, %sign3A_491 : i32
        %sign3A_493 = arith.extui %sign3A_492 : i1 to i32
        %sign3A_494 = arith.constant 0 : i32
        %sign3A_495 = arith.cmpi slt, %jit3A_482, %sign3A_494 : i32
        %sign3A_496 = arith.extui %sign3A_495 : i1 to i32
        %sign3A_497 = arith.subi %sign3A_493, %sign3A_496 : i32
        %ne3A_498 = arith.cmpi ne, %sign3A_490, %sign3A_497 : i32
        %rem3A_499 = arith.remsi %add3A_477, %jit3A_482 : i32
        %ne3A_500 = arith.constant 0 : i32
        %ne3A_501 = arith.cmpi ne, %rem3A_499, %ne3A_500 : i32
        %and3A_502 = arith.andi %ne3A_498, %ne3A_501 : i1
        %sub3A_503 = arith.constant 1 : i32
        %sub3A_504 = arith.subi %div3A_483, %sub3A_503 : i32
        %select_n3A_505 = arith.select %and3A_502, %sub3A_504, %div3A_483 : i32
        %jit3A_506 = arith.constant 50 : i32
        %eq3A_507 = arith.constant 0 : i32
        %eq3A_508 = arith.cmpi eq, %jit3A_506, %eq3A_507 : i32
        %jit3A_509 = arith.constant 1 : i32
        %select_n3A_510 = arith.select %eq3A_508, %jit3A_509, %jit3A_506 : i32
        %rem3A_511 = arith.remsi %add3A_477, %select_n3A_510 : i32
        %ne3A_512 = arith.constant 0 : i32
        %ne3A_513 = arith.cmpi ne, %rem3A_511, %ne3A_512 : i32
        %lt3A_514 = arith.constant 0 : i32
        %lt3A_515 = arith.cmpi slt, %rem3A_511, %lt3A_514 : i32
        %lt3A_516 = arith.constant 0 : i32
        %lt3A_517 = arith.cmpi slt, %select_n3A_510, %lt3A_516 : i32
        %ne3A_518 = arith.xori %lt3A_515, %lt3A_517 : i1
        %and3A_519 = arith.andi %ne3A_518, %ne3A_513 : i1
        %add3A_520 = arith.addi %rem3A_511, %select_n3A_510 : i32
        %select_n3A_521 = arith.select %and3A_519, %add3A_520, %rem3A_511 : i32
        %swap3A_522 = arith.index_cast %select_n3A_505 : i32 to index
        %swap3A_523 = arith.index_cast %select_n3A_521 : i32 to index
        %swap3A_524 = arith.constant 0 : index
        %swap3A_525 = tpu.vector_load %arg13[%swap3A_522, %swap3A_523, %swap3A_524] {strides = array<i32>} : memref<2x50x64xf16, #tpu.memory_space<vmem>>, vector<32xf16>,
        tpu.vector_store %arg13[%swap3A_522, %swap3A_523, %swap3A_524], %bitcast3A_481 {strides = array<i32>} : memref<2x50x64xf16, #tpu.memory_space<vmem>>, vector<32xf16>,
        %mul3A_526 = arith.constant 5 : i32
        %mul3A_527 = arith.muli %scan3A_172, %mul3A_526 : i32
        %add3A_528 = arith.constant 3 : i32
        %add3A_529 = arith.addi %mul3A_527, %add3A_528 : i32
        %get3A_530 = arith.index_cast %add3A_529 : i32 to index
        %get3A_531 = arith.constant 16 : index
        %get3A_532 = tpu.vector_load %arg12[%get3A_530, %get3A_531] {strides = array<i32>} : memref<100x32xi32, #tpu.memory_space<vmem>>, vector<16xi32>,
        %bitcast3A_533 = vector.bitcast %get3A_532 : vector<16xi32> to vector<32xf16>
        %jit3A_534 = arith.constant 50 : i32
        %div3A_535 = arith.divsi %add3A_529, %jit3A_534 : i32
        %sign3A_536 = arith.constant 0 : i32
        %sign3A_537 = arith.cmpi sgt, %add3A_529, %sign3A_536 : i32
        %sign3A_538 = arith.extui %sign3A_537 : i1 to i32
        %sign3A_539 = arith.constant 0 : i32
        %sign3A_540 = arith.cmpi slt, %add3A_529, %sign3A_539 : i32
        %sign3A_541 = arith.extui %sign3A_540 : i1 to i32
        %sign3A_542 = arith.subi %sign3A_538, %sign3A_541 : i32
        %sign3A_543 = arith.constant 0 : i32
        %sign3A_544 = arith.cmpi sgt, %jit3A_534, %sign3A_543 : i32
        %sign3A_545 = arith.extui %sign3A_544 : i1 to i32
        %sign3A_546 = arith.constant 0 : i32
        %sign3A_547 = arith.cmpi slt, %jit3A_534, %sign3A_546 : i32
        %sign3A_548 = arith.extui %sign3A_547 : i1 to i32
        %sign3A_549 = arith.subi %sign3A_545, %sign3A_548 : i32
        %ne3A_550 = arith.cmpi ne, %sign3A_542, %sign3A_549 : i32
        %rem3A_551 = arith.remsi %add3A_529, %jit3A_534 : i32
        %ne3A_552 = arith.constant 0 : i32
        %ne3A_553 = arith.cmpi ne, %rem3A_551, %ne3A_552 : i32
        %and3A_554 = arith.andi %ne3A_550, %ne3A_553 : i1
        %sub3A_555 = arith.constant 1 : i32
        %sub3A_556 = arith.subi %div3A_535, %sub3A_555 : i32
        %select_n3A_557 = arith.select %and3A_554, %sub3A_556, %div3A_535 : i32
        %jit3A_558 = arith.constant 50 : i32
        %eq3A_559 = arith.constant 0 : i32
        %eq3A_560 = arith.cmpi eq, %jit3A_558, %eq3A_559 : i32
        %jit3A_561 = arith.constant 1 : i32
        %select_n3A_562 = arith.select %eq3A_560, %jit3A_561, %jit3A_558 : i32
        %rem3A_563 = arith.remsi %add3A_529, %select_n3A_562 : i32
        %ne3A_564 = arith.constant 0 : i32
        %ne3A_565 = arith.cmpi ne, %rem3A_563, %ne3A_564 : i32
        %lt3A_566 = arith.constant 0 : i32
        %lt3A_567 = arith.cmpi slt, %rem3A_563, %lt3A_566 : i32
        %lt3A_568 = arith.constant 0 : i32
        %lt3A_569 = arith.cmpi slt, %select_n3A_562, %lt3A_568 : i32
        %ne3A_570 = arith.xori %lt3A_567, %lt3A_569 : i1
        %and3A_571 = arith.andi %ne3A_570, %ne3A_565 : i1
        %add3A_572 = arith.addi %rem3A_563, %select_n3A_562 : i32
        %select_n3A_573 = arith.select %and3A_571, %add3A_572, %rem3A_563 : i32
        %swap3A_574 = arith.index_cast %select_n3A_557 : i32 to index
        %swap3A_575 = arith.index_cast %select_n3A_573 : i32 to index
        %swap3A_576 = arith.constant 32 : index
        %swap3A_577 = tpu.vector_load %arg13[%swap3A_574, %swap3A_575, %swap3A_576] {strides = array<i32>} : memref<2x50x64xf16, #tpu.memory_space<vmem>>, vector<32xf16>,
        tpu.vector_store %arg13[%swap3A_574, %swap3A_575, %swap3A_576], %bitcast3A_533 {strides = array<i32>} : memref<2x50x64xf16, #tpu.memory_space<vmem>>, vector<32xf16>,
        %mul3A_578 = arith.constant 5 : i32
        %mul3A_579 = arith.muli %scan3A_172, %mul3A_578 : i32
        %add3A_580 = arith.constant 4 : i32
        %add3A_581 = arith.addi %mul3A_579, %add3A_580 : i32
        %get3A_582 = arith.index_cast %add3A_581 : i32 to index
        %get3A_583 = arith.constant 0 : index
        %get3A_584 = tpu.vector_load %arg12[%get3A_582, %get3A_583] {strides = array<i32>} : memref<100x32xi32, #tpu.memory_space<vmem>>, vector<16xi32>,
        %bitcast3A_585 = vector.bitcast %get3A_584 : vector<16xi32> to vector<32xf16>
        %jit3A_586 = arith.constant 50 : i32
        %div3A_587 = arith.divsi %add3A_581, %jit3A_586 : i32
        %sign3A_588 = arith.constant 0 : i32
        %sign3A_589 = arith.cmpi sgt, %add3A_581, %sign3A_588 : i32
        %sign3A_590 = arith.extui %sign3A_589 : i1 to i32
        %sign3A_591 = arith.constant 0 : i32
        %sign3A_592 = arith.cmpi slt, %add3A_581, %sign3A_591 : i32
        %sign3A_593 = arith.extui %sign3A_592 : i1 to i32
        %sign3A_594 = arith.subi %sign3A_590, %sign3A_593 : i32
        %sign3A_595 = arith.constant 0 : i32
        %sign3A_596 = arith.cmpi sgt, %jit3A_586, %sign3A_595 : i32
        %sign3A_597 = arith.extui %sign3A_596 : i1 to i32
        %sign3A_598 = arith.constant 0 : i32
        %sign3A_599 = arith.cmpi slt, %jit3A_586, %sign3A_598 : i32
        %sign3A_600 = arith.extui %sign3A_599 : i1 to i32
        %sign3A_601 = arith.subi %sign3A_597, %sign3A_600 : i32
        %ne3A_602 = arith.cmpi ne, %sign3A_594, %sign3A_601 : i32
        %rem3A_603 = arith.remsi %add3A_581, %jit3A_586 : i32
        %ne3A_604 = arith.constant 0 : i32
        %ne3A_605 = arith.cmpi ne, %rem3A_603, %ne3A_604 : i32
        %and3A_606 = arith.andi %ne3A_602, %ne3A_605 : i1
        %sub3A_607 = arith.constant 1 : i32
        %sub3A_608 = arith.subi %div3A_587, %sub3A_607 : i32
        %select_n3A_609 = arith.select %and3A_606, %sub3A_608, %div3A_587 : i32
        %jit3A_610 = arith.constant 50 : i32
        %eq3A_611 = arith.constant 0 : i32
        %eq3A_612 = arith.cmpi eq, %jit3A_610, %eq3A_611 : i32
        %jit3A_613 = arith.constant 1 : i32
        %select_n3A_614 = arith.select %eq3A_612, %jit3A_613, %jit3A_610 : i32
        %rem3A_615 = arith.remsi %add3A_581, %select_n3A_614 : i32
        %ne3A_616 = arith.constant 0 : i32
        %ne3A_617 = arith.cmpi ne, %rem3A_615, %ne3A_616 : i32
        %lt3A_618 = arith.constant 0 : i32
        %lt3A_619 = arith.cmpi slt, %rem3A_615, %lt3A_618 : i32
        %lt3A_620 = arith.constant 0 : i32
        %lt3A_621 = arith.cmpi slt, %select_n3A_614, %lt3A_620 : i32
        %ne3A_622 = arith.xori %lt3A_619, %lt3A_621 : i1
        %and3A_623 = arith.andi %ne3A_622, %ne3A_617 : i1
        %add3A_624 = arith.addi %rem3A_615, %select_n3A_614 : i32
        %select_n3A_625 = arith.select %and3A_623, %add3A_624, %rem3A_615 : i32
        %swap3A_626 = arith.index_cast %select_n3A_609 : i32 to index
        %swap3A_627 = arith.index_cast %select_n3A_625 : i32 to index
        %swap3A_628 = arith.constant 0 : index
        %swap3A_629 = tpu.vector_load %arg13[%swap3A_626, %swap3A_627, %swap3A_628] {strides = array<i32>} : memref<2x50x64xf16, #tpu.memory_space<vmem>>, vector<32xf16>,
        tpu.vector_store %arg13[%swap3A_626, %swap3A_627, %swap3A_628], %bitcast3A_585 {strides = array<i32>} : memref<2x50x64xf16, #tpu.memory_space<vmem>>, vector<32xf16>,
        %mul3A_630 = arith.constant 5 : i32
        %mul3A_631 = arith.muli %scan3A_172, %mul3A_630 : i32
        %add3A_632 = arith.constant 4 : i32
        %add3A_633 = arith.addi %mul3A_631, %add3A_632 : i32
        %get3A_634 = arith.index_cast %add3A_633 : i32 to index
        %get3A_635 = arith.constant 16 : index
        %get3A_636 = tpu.vector_load %arg12[%get3A_634, %get3A_635] {strides = array<i32>} : memref<100x32xi32, #tpu.memory_space<vmem>>, vector<16xi32>,
        %bitcast3A_637 = vector.bitcast %get3A_636 : vector<16xi32> to vector<32xf16>
        %jit3A_638 = arith.constant 50 : i32
        %div3A_639 = arith.divsi %add3A_633, %jit3A_638 : i32
        %sign3A_640 = arith.constant 0 : i32
        %sign3A_641 = arith.cmpi sgt, %add3A_633, %sign3A_640 : i32
        %sign3A_642 = arith.extui %sign3A_641 : i1 to i32
        %sign3A_643 = arith.constant 0 : i32
        %sign3A_644 = arith.cmpi slt, %add3A_633, %sign3A_643 : i32
        %sign3A_645 = arith.extui %sign3A_644 : i1 to i32
        %sign3A_646 = arith.subi %sign3A_642, %sign3A_645 : i32
        %sign3A_647 = arith.constant 0 : i32
        %sign3A_648 = arith.cmpi sgt, %jit3A_638, %sign3A_647 : i32
        %sign3A_649 = arith.extui %sign3A_648 : i1 to i32
        %sign3A_650 = arith.constant 0 : i32
        %sign3A_651 = arith.cmpi slt, %jit3A_638, %sign3A_650 : i32
        %sign3A_652 = arith.extui %sign3A_651 : i1 to i32
        %sign3A_653 = arith.subi %sign3A_649, %sign3A_652 : i32
        %ne3A_654 = arith.cmpi ne, %sign3A_646, %sign3A_653 : i32
        %rem3A_655 = arith.remsi %add3A_633, %jit3A_638 : i32
        %ne3A_656 = arith.constant 0 : i32
        %ne3A_657 = arith.cmpi ne, %rem3A_655, %ne3A_656 : i32
        %and3A_658 = arith.andi %ne3A_654, %ne3A_657 : i1
        %sub3A_659 = arith.constant 1 : i32
        %sub3A_660 = arith.subi %div3A_639, %sub3A_659 : i32
        %select_n3A_661 = arith.select %and3A_658, %sub3A_660, %div3A_639 : i32
        %jit3A_662 = arith.constant 50 : i32
        %eq3A_663 = arith.constant 0 : i32
        %eq3A_664 = arith.cmpi eq, %jit3A_662, %eq3A_663 : i32
        %jit3A_665 = arith.constant 1 : i32
        %select_n3A_666 = arith.select %eq3A_664, %jit3A_665, %jit3A_662 : i32
        %rem3A_667 = arith.remsi %add3A_633, %select_n3A_666 : i32
        %ne3A_668 = arith.constant 0 : i32
        %ne3A_669 = arith.cmpi ne, %rem3A_667, %ne3A_668 : i32
        %lt3A_670 = arith.constant 0 : i32
        %lt3A_671 = arith.cmpi slt, %rem3A_667, %lt3A_670 : i32
        %lt3A_672 = arith.constant 0 : i32
        %lt3A_673 = arith.cmpi slt, %select_n3A_666, %lt3A_672 : i32
        %ne3A_674 = arith.xori %lt3A_671, %lt3A_673 : i1
        %and3A_675 = arith.andi %ne3A_674, %ne3A_669 : i1
        %add3A_676 = arith.addi %rem3A_667, %select_n3A_666 : i32
        %select_n3A_677 = arith.select %and3A_675, %add3A_676, %rem3A_667 : i32
        %swap3A_678 = arith.index_cast %select_n3A_661 : i32 to index
        %swap3A_679 = arith.index_cast %select_n3A_677 : i32 to index
        %swap3A_680 = arith.constant 32 : index
        %swap3A_681 = tpu.vector_load %arg13[%swap3A_678, %swap3A_679, %swap3A_680] {strides = array<i32>} : memref<2x50x64xf16, #tpu.memory_space<vmem>>, vector<32xf16>,
        tpu.vector_store %arg13[%swap3A_678, %swap3A_679, %swap3A_680], %bitcast3A_637 {strides = array<i32>} : memref<2x50x64xf16, #tpu.memory_space<vmem>>, vector<32xf16>,
      }
      %scan3A_167 = arith.constant 20 : i32
      %mul3A_168 = arith.constant 2 : i32
      %mul3A_169 = arith.muli %mul3A_168, %add3A_161 : i32
      %add3A_170 = arith.addi %mul3A_113, %mul3A_169 : i32
      %run_scoped3A_171 = arith.constant 0 : i32
      "tpu.region"() ({
        %run_scoped3A_172 = tpu.sem_alloc : memref<!tpu.dma_semaphore, #tpu.memory_space<semaphore_mem>>
        %dma_start3A_173 = arith.constant 0 : i32
        %dma_start3A_174 = arith.constant 0 : i32
        %dma_start3A_175 = tpu.memref_slice %arg4[%run_scoped3A_171, %add3A_170, %dma_start3A_173, %dma_start3A_174] : memref<1x16384x50x64xf16, #tpu.memory_space<hbm>> -> memref<1x2x50x64xf16, #tpu.memory_space<hbm>>
        %dma_start3A_176 = tpu.memref_squeeze %dma_start3A_175 : memref<1x2x50x64xf16, #tpu.memory_space<hbm>> -> memref<2x50x64xf16, #tpu.memory_space<hbm>>
        %dma_start3A_177 = arith.constant 0 : i32
        %dma_start3A_178 = arith.constant 0 : i32
        %dma_start3A_179 = tpu.memref_slice %arg4[%run_scoped3A_171, %add3A_170, %dma_start3A_177, %dma_start3A_178] : memref<1x16384x50x64xf16, #tpu.memory_space<hbm>> -> memref<1x2x50x64xf16, #tpu.memory_space<hbm>>
        %dma_start3A_180 = tpu.memref_squeeze %dma_start3A_179 : memref<1x2x50x64xf16, #tpu.memory_space<hbm>> -> memref<2x50x64xf16, #tpu.memory_space<hbm>>
        tpu.enqueue_dma source(%arg13 : memref<2x50x64xf16, #tpu.memory_space<vmem>>) target(%dma_start3A_180 : memref<2x50x64xf16, #tpu.memory_space<hbm>>) target_semaphore(%run_scoped3A_172 : memref<!tpu.dma_semaphore, #tpu.memory_space<semaphore_mem>>)
        %dma_wait3A_181 = arith.constant 0 : i32
        %dma_wait3A_182 = arith.constant 0 : i32
        %dma_wait3A_183 = tpu.memref_slice %arg4[%run_scoped3A_171, %add3A_170, %dma_wait3A_181, %dma_wait3A_182] : memref<1x16384x50x64xf16, #tpu.memory_space<hbm>> -> memref<1x2x50x64xf16, #tpu.memory_space<hbm>>
        %dma_wait3A_184 = tpu.memref_squeeze %dma_wait3A_183 : memref<1x2x50x64xf16, #tpu.memory_space<hbm>> -> memref<2x50x64xf16, #tpu.memory_space<hbm>>
        %dma_wait3A_185 = arith.constant 0 : i32
        %dma_wait3A_186 = arith.constant 0 : i32
        %dma_wait3A_187 = tpu.memref_slice %arg4[%run_scoped3A_171, %add3A_170, %dma_wait3A_185, %dma_wait3A_186] : memref<1x16384x50x64xf16, #tpu.memory_space<hbm>> -> memref<1x2x50x64xf16, #tpu.memory_space<hbm>>
        %dma_wait3A_188 = tpu.memref_squeeze %dma_wait3A_187 : memref<1x2x50x64xf16, #tpu.memory_space<hbm>> -> memref<2x50x64xf16, #tpu.memory_space<hbm>>
        tpu.wait_dma2 semaphore(%run_scoped3A_172 : memref<!tpu.dma_semaphore, #tpu.memory_space<semaphore_mem>>) src(%arg13 : memref<2x50x64xf16, #tpu.memory_space<vmem>>) dst(%dma_wait3A_188 : memref<2x50x64xf16, #tpu.memory_space<hbm>>)
        tpu.yield
      }) : () -> ()
    }
    %scan3A_126 = arith.constant 128 : i32
    return
  }
}

</mosaic_0001>

<sc_bundles>
// kernel: kernel.3.cloned.1.call-start
scs
__scs_entry_jumppad:
0x0: {  	(pc) =	sbr.rel $0x88, $3  }
0x1: {  	(tag) =	ssettag $0x0;
	lr =	simm.s32 $0x1  }
0x2: {  	[smem:$0x3F9F] =	sst lr;
	_ =	strace $0xD0000000  }
0x3: {  	_ = 	snop  }
0x4: {  	_ = 	snop  }
0x5: {  	_ = 	snop  }
0x6: {  	_ = 	snop  }
0x7: {  	_ = 	snop  }
__scs_overlays_trampoline_lowered:
0x8: {  	[smem:$0x3FAE] =	sst s0  }
0x9: {  	[smem:$0x3FAF] =	sst s1  }
0xa: {  	[smem:$0x3FB0] =	sst s2  }
0xb: {  	[smem:$0x3FB1] =	sst s3  }
0xc: {  	[smem:$0x3FB2] =	sst s4  }
0xd: {  	[smem:$0x3FB3] =	sst s5  }
0xe: {  	[smem:$0x3FB4] =	sst s6  }
0xf: {  	[smem:$0x3FB5] =	sst s7  }
0x10: {  	[smem:$0x3FB6] =	sst s8  }
0x11: {  	[smem:$0x3FB7] =	sst s9;
	s0 =	simm.s32 @!p0 $0x0  }
0x12: {  	s1 =	sld [smem:$0x3F9D];
	s0 =	simm.s32 @p0 $0x1  }
0x13: {  	[smem:$0x3FB8] =	sst s0;
	s0 =	simm.s32 @!p1 $0x0  }
0x14: {  	s2 =	sld [smem:$0x3F9C];
	s0 =	simm.s32 @p1 $0x1  }
0x15: {  	[smem:$0x3FB9] =	sst s0;
	s0 =	simm.s32 @!p2 $0x0  }
0x16: {  	s3 =	sld [smem:$0x3FDB];
	s0 =	simm.s32 @p2 $0x1  }
0x17: {  	s4 =	simm.s32 $0x1BF5;
	[smem:$0x3FBB] =	sst s0  }
0x18: {  	s0 =	sld [smem:$0x3F9E];
	_ =	swait.ge [sflag:s4], $0x0  }
0x19: {  	s7 =	sld [smem:$0x3F9F]  }
0x1a: {  	s8 =	sadd.s32 $0xFFFFE003, lr  }
0x1b: {  	s9 =	sadd.s32 $0xFFFFFEF7, lr;
	s5 =	simm.s32 $0xFFFFFFFF;
	p2 =	slt.u32 s8, $0xFFFFF086  }
0x1c: {  	p1 =	slt.u32 s9, $0xF7A;
	s5 =	simm.s32 @!p2 $0x0  }
0x1d: {  	s5 =	simm.s32 @p1 $0x1;
	p0 =	seq.s32 s7, s2  }
0x1e: {  	s7 =	smul.u32 @!p0 $0xF7A, s2;
	p2 =	seq.s32 @!p0 s5, $0x0  }
0x1f: {  	s9 =	smul.u32 $0xF7A, s1;
	s8 =	simm.s32 @!p0 $0x1BF5;
	p2 =	por !p2, p0  }
0x20: {  	[sflag:s8] =	ssyncset.s32 @!p0 $0xFFFFF086;
	s6 =	sadd.s32 @!p0 s3, s7;
	s7 =	simm.s32 @!p0 $0x108  }
0x21: {  	s3 =	sadd.s32 s3, s9;
	s6 =	sadd.s32 @!p0 $0x88, s6;
	s7 =	simm.s32 @p2 $0x1082  }
0x22: {  	[simem:s7], [sflag:s8] =	dma.local @!p0 [hbm:s6], $0xF7A  }
0x23: {  	s9 =	sor.u32 $0xD0000000, s2;
	s6 =	simm.s32 $0x108;
	_ =	swait.ge @!p0 [sflag:s8], $0x0  }
0x24: {  	s3 =	sadd.s32 $0x88, s3;
	s6 =	simm.s32 @!p1 $0x1082;
	[sflag:s4] =	ssyncset.s32 $0xFFFFF086  }
0x25: {  	[simem:s6], [sflag:s4] =	dma.local [hbm:s3], $0xF7A  }
0x26: {  	[smem:$0x3F9F] =	sst s1;
	(tag) =	ssettag s2;
	_ =	strace s9  }
0x27: {  	s1 =	sld [smem:$0x3FAF]  }
0x28: {  	s2 =	sld [smem:$0x3FB0]  }
0x29: {  	s4 =	sld [smem:$0x3FB2]  }
0x2a: {  	p0 =	seq.s32 s5, $0x0;
	s5 =	sld [smem:$0x3FB3]  }
0x2b: {  	s6 =	sld [smem:$0x3FB4]  }
0x2c: {  	s7 =	sld [smem:$0x3FB5]  }
0x2d: {  	s3 =	simm.s32 $0x108;
	s8 =	sld [smem:$0x3FB6]  }
0x2e: {  	s3 =	simm.s32 @!p0 $0x1082;
	s9 =	sld [smem:$0x3FB7]  }
0x2f: {  	lr =	sadd.s32 s0, s3;
	s0 =	sld [smem:$0x3FAE]  }
0x30: {  	s3 =	sld [smem:$0x3FB1]  }
0x31: {  	[smem:$0x3FBA] =	sst s10  }
0x32: {  	s10 =	sld [smem:$0x3FB8];
	_ =	sdelay $0x3  }
0x33: {  	p0 =	seq.s32 s10, $0x1;
	s10 =	sld [smem:$0x3FBA];
	_ =	sdelay $0x3  }
0x34: {  	[smem:$0x3FBA] =	sst s10  }
0x35: {  	s10 =	sld [smem:$0x3FB9];
	_ =	sdelay $0x3  }
0x36: {  	p1 =	seq.s32 s10, $0x1;
	s10 =	sld [smem:$0x3FBA];
	_ =	sdelay $0x3  }
0x37: {  	[smem:$0x3FBA] =	sst s10  }
0x38: {  	s10 =	sld [smem:$0x3FBB]  }
0x39: {  	_ = 	snop;
	(pc) =	sbr.ind lr, $3  }
0x3a: {  	_ = 	snop  }
0x3b: {  	_ = 	snop  }
0x3c: {  	p2 =	seq.s32 s10, $0x1;
	s10 =	sld [smem:$0x3FBA]  }
0x3d: {  	_ =	shalt  }
0x3e: {  	_ =	shalt  }
0x3f: {  	_ =	shalt  }
0x40: {  	_ =	shalt  }
0x41: {  	_ =	shalt  }
0x42: {  	_ =	shalt  }
0x43: {  	_ =	shalt  }
0x44: {  	_ =	shalt  }
0x45: {  	_ =	shalt  }
0x46: {  	_ =	shalt  }
0x47: {  	_ =	shalt  }
0x48: {  	_ =	shalt  }
0x49: {  	_ =	shalt  }
0x4a: {  	_ =	shalt  }
0x4b: {  	_ =	shalt  }
0x4c: {  	_ =	shalt  }
0x4d: {  	_ =	shalt  }
0x4e: {  	_ =	shalt  }
0x4f: {  	_ =	shalt  }
0x50: {  	_ =	shalt  }
0x51: {  	_ =	shalt  }
0x52: {  	_ =	shalt  }
0x53: {  	_ =	shalt  }
0x54: {  	_ =	shalt  }
0x55: {  	_ =	shalt  }
0x56: {  	_ =	shalt  }
0x57: {  	_ =	shalt  }
0x58: {  	_ =	shalt  }
0x59: {  	_ =	shalt  }
0x5a: {  	_ =	shalt  }
0x5b: {  	_ =	shalt  }
0x5c: {  	_ =	shalt  }
0x5d: {  	_ =	shalt  }
0x5e: {  	_ =	shalt  }
0x5f: {  	_ =	shalt  }
0x60: {  	_ =	shalt  }
0x61: {  	_ =	shalt  }
0x62: {  	_ =	shalt  }
0x63: {  	_ =	shalt  }
0x64: {  	_ =	shalt  }
0x65: {  	_ =	shalt  }
0x66: {  	_ =	shalt  }
0x67: {  	_ =	shalt  }
0x68: {  	_ =	shalt  }
0x69: {  	_ =	shalt  }
0x6a: {  	_ =	shalt  }
0x6b: {  	_ =	shalt  }
0x6c: {  	_ =	shalt  }
0x6d: {  	_ =	shalt  }
0x6e: {  	_ =	shalt  }
0x6f: {  	_ =	shalt  }
0x70: {  	_ =	shalt  }
0x71: {  	_ =	shalt  }
0x72: {  	_ =	shalt  }
0x73: {  	_ =	shalt  }
0x74: {  	_ =	shalt  }
0x75: {  	_ =	shalt  }
0x76: {  	_ =	shalt  }
0x77: {  	_ =	shalt  }
0x78: {  	_ =	shalt  }
0x79: {  	_ =	shalt  }
0x7a: {  	_ =	shalt  }
0x7b: {  	_ =	shalt  }
0x7c: {  	_ =	shalt  }
0x7d: {  	_ =	shalt  }
0x7e: {  	_ =	shalt  }
0x7f: {  	_ =	shalt  }
0x80: {  	_ =	shalt  }
0x81: {  	_ =	shalt  }
0x82: {  	_ =	shalt  }
0x83: {  	_ =	shalt  }
0x84: {  	_ =	shalt  }
0x85: {  	_ =	shalt  }
0x86: {  	_ =	shalt  }
0x87: {  	_ =	shalt  }
.Lfunc_end0:
.L_simem_size_0:
called_computation.2_lowered:
.L_overlay_start_0:
0x88: {  	s2 =	sld [smem:$0x3FD9]  }
0x89: {  	s3 =	sld [smem:$0x3FFE];
	_ =	sdelay $0x1  }
0x8a: {  	s1 =	srdreg.scid  }
0x8b: {  	s0 =	sand.u32 $0x1, s1  }
0x8c: {  	s18 =	sshll.u32 s0, $0xA;
	s2 =	sadd.s32 s3, s2  }
0x8d: {  	s3 =	sadd.s32 s2, s18  }
0x8e: {  	[smem:$0x3FC6] =	sst s3  }
0x8f: {  	_ = 	snop  }
0x90: {  	s3 =	sld [smem:$0x3FD0];
	(tm) =	ssettm $0x1  }
0x91: {  	s4 =	sld [smem:$0x3FFB];
	_ =	sdelay $0x3  }
0x92: {  	_ =	strace s4  }
0x93: {  	s4 =	sld [smem:$0x3FFC];
	_ =	sdelay $0x3  }
0x94: {  	_ =	strace s4  }
0x95: {  	s4 =	sld [smem:$0x3FFD];
	_ =	sdelay $0x3  }
0x96: {  	_ =	strace s4  }
0x97: {  	_ =	strace $0x8FFFFFFF  }
0x98: {  	s19 =	sld [smem:$0x3FDB];
	_ =	sdelay $0x1  }
0x99: {  	s5 =	simm.s32 $_scs_section_size  }
0x9a: {  	s6 =	simm.s32 $_size__tile_overlayer_lowered;
	s7 =	simm.s32 $_tile_overlayer_lowered  }
0x9b: {  	s22 =	simm.s32 $0x1BFF;
	s21 =	sshll.u32 s7, $0x1;
	s4 =	sadd.s32 s5, s19  }
0x9c: {  	s8 =	simm.s32 $0x0;
	s20 =	sshll.u32 s6, $0x1;
	s6 =	sadd.s32 s21, s4  }
0x9d: {  	[timem:s8], [sflag:s22] =	dma.local [hbm:s6], s20  }
0x9e: {  	_ =	swait.ge [sflag:s22], s20  }
0x9f: {  	s5 =	ssub.s32 $0x0, s20;
	[sflag:s22] =	ssyncset.done $0x0  }
0xa0: {  	[sflag:s22] =	ssyncadd.s32 s5;
	_ =	sdelay $0x1  }
0xa1: {  	s23 =	simm.s32 $0x1B8B  }
0xa2: {  	_ =	swait.ge [sflag:s23], $0x1  }
0xa3: {  	[sflag:s23] =	ssyncset.done $0x0  }
0xa4: {  	s25 =	simm.s32 $0x1B8E;
	s24 =	sld [smem:$0x3FFE];
	[sflag:s23] =	ssyncadd.s32 $0xFFFFFFFF  }
0xa5: {  	s26 =	simm.s32 $execute0_lowered;
	[smem:$0x3FD2] =	sst s25  }
0xa6: {  	s6 =	sshll.u32 s26, $0x1;
	_ =	strace $0x80000049;
	[dreg:$0x1] =	wrdreg $0xFFFFFFFF  }
0xa7: {  	s28 =	simm.s32 $_size_execute0_lowered;
	s4 =	sadd.s32 s4, s6;
	[dreg:$0x0] =	wrdreg $0x0  }
0xa8: {  	s6 =	sshll.u32 s28, $0x1;
	[dreg:$0x2] =	wrdreg s4  }
0xa9: {  	[dreg:$0x3] =	wrdreg s6  }
0xaa: {  	[dreg:$0x4] =	wrdreg $0xC0  }
0xab: {  	_ =	task [dreg:s8], $0x5FFFF  }
0xac: {  	[dreg:$0x1] =	wrdreg $0xFFFFFFFF  }
0xad: {  	[dreg:$0x0] =	wrdreg $0x60  }
0xae: {  	[dreg:$0x2] =	wrdreg s3  }
0xaf: {  	s2 =	sadd.s32 $0x800, s2;
	[dreg:$0x3] =	wrdreg s24  }
0xb0: {  	[dreg:$0x4] =	wrdreg s2  }
0xb1: {  	[dreg:$0x5] =	wrdreg $0x9  }
0xb2: {  	_ =	task.clear_ibuf [dreg:s8], $0x6FFFF;
	_ =	strace $0x90000049  }
0xb3: {  	s29 =	simm.s32 $0x9;
	_ =	strace $0x8000004B  }
0xb4: {  	_ =	swait.ge [sflag:s29], $0x1  }
0xb5: {  	[sflag:s29] =	ssyncadd.s32 $0xFFFFFFFF  }
0xb6: {  	_ =	strace $0x9000004B  }
0xb7: {  	_ =	sfence  }
0xb8: {  	s30 =	sld [smem:$0x0];
	_ =	sdelay $0x2  }
0xb9: {  	s31 =	sshll.u32 s1, $0xD;
	s1 =	sshrl.u32 s1, $0x2  }
0xba: {  	s3 =	sand.u32 $0x4000, s31;
	s1 =	sadd.s32 s1, s30  }
0xbb: {  	s0 =	sor.u32 s3, s0;
	s1 =	sshll.u32 s1, $0x11  }
0xbc: {  	s0 =	sor.u32 s1, s0  }
0xbd: {  	s0 =	sadd.s32 $0x8F2B, s0  }
0xbe: {  	[sflag:s0] =	ssyncadd.remote.s32 $0x1  }
0xbf: {  	_ =	sfence.sel $0xFFFF  }
0xc0: {  	[dreg:$0x0] =	wrdreg $0xFFFFFFFF;
	(pc) =	sbr.abs _section_cstart, $3  }
0xc1: {  	[dreg:$0x1] =	wrdreg $0xFFFFFFFF  }
0xc2: {  	_ =	task.clear_ibuf [dreg:s8], $0x2FFFF;
	_ =	strace $0x9FFFFFFF  }
0xc3: {  	(tm) =	ssettm $0x7FFFFFFF  }
tec
execute0_lowered:
.L_overlay_start_1:
0x0: {  	(tag) =	ssettag $0x1  }
0x1: {  	s0 =	rddreg [dreg:$0x0]  }
0x2: {  	s1 =	rddreg [dreg:$0x1]  }
0x3: {  	s2 =	rddreg [dreg:$0x2]  }
0x4: {  	s3 =	simm.s32 $0x0;
	s4 =	srdreg.scid;
	s5 =	stileid.u32  }
0x5: {  	s16 =	simm.s32 $0x3;
	s14 =	simm.s32 $0x4E20;
	s18 =	simm.s32 $0x1  }
0x6: {  	s19 =	simm.s32 $0x9C40;
	s20 =	simm.s32 $0x2;
	s17 =	simm.s32 $0x177E0  }
0x7: {  	s23 =	simm.s32 $0x64;
	s26 =	simm.s32 $0x16B60;
	[smem:$0x7FF] =	sst s3  }
0x8: {  	s8 =	sand.u32 $0x1, s4;
	s29 =	sshll.u32 s5, $0x1;
	s4 =	sadd.s32 $0x3D1C00, s1  }
0x9: {  	s5 =	sadd.s32 $0x1400, s1;
	s7 =	sadd.s32 $0x1200, s1;
	s9 =	sor.u32 s8, s29  }
0xa: {  	_ =	strace $0x8000004A;
	s30 =	ssub.s32 $0x2, s8;
	s6 =	smul.u32 $0x7A12, s9  }
0xb: {  	s10 =	smul.u32 $0x1E848, s9;
	s8 =	sshrl.u32 s30, $0x1;
	s11 =	sshll.u32 s9, $0x4  }
0xc: {  	s12 =	smul.u32 $0xD00, s9;
	s1 =	ssub.s32 s30, s8;
	s8 =	sadd.s32 s7, s11  }
0xd: {  	s13 =	sshll.u32 s9, $0x9;
	s10 =	sadd.s32 s4, s10;
	[dreg:$0x4] =	wrdreg s8  }
0xe: {  	s11 =	sadd.s32 $0x4E2, s6;
	s0 =	sadd.s32 s0, s12;
	[dreg:$0x5] =	wrdreg s10  }
0xf: {  	s31 =	smax.u32 s1, $0x1;
	s12 =	simm.s32 $0x187E0;
	[dreg:$0x6] =	wrdreg s0  }
0x10: {  	v0 =	vimm.s32 $0x0;
	v1 =	vimm.s32 $0x1;
	s1 =	simm.s32 $0x0;
	s10 =	sadd.s32 $0x271, s6;
	[dreg:$0x7] =	wrdreg s31  }
.LBB2_1:
0x11: {  	[tilespmem:$0x187E0] =	vst v0  }
0x12: {  	[tilespmem:$0x187F0] =	vst v0  }
0x13: {  	[tilespmem:$0x18800] =	vst v0  }
0x14: {  	[tilespmem:$0x18810] =	vst v0  }
0x15: {  	[tilespmem:$0x18820] =	vst v0  }
0x16: {  	[tilespmem:$0x18830] =	vst v0  }
0x17: {  	[tilespmem:$0x18840] =	vst v0  }
0x18: {  	[dreg:$0x8] =	wrdreg s1;
	[tilespmem:$0x18850] =	vst v0  }
0x19: {  	[hbm4b:s8+s3] =	stream.linear.scatter [tilespmem:s12], [sflag:$0x3], $0x80, $0x38;
	[tilespmem:$0x18860] =	vst v63  }
0x1a: {  	_ =	swait.ge [sflag:s16], $0x80  }
0x1b: {  	[sflag:s16] =	ssyncset.done $0x0  }
0x1c: {  	s29 =	simm.s32 $0x0;
	s0 =	rddreg [dreg:$0x5];
	[sflag:s16] =	ssyncadd.s32 $0xFFFFFF80  }
0x1d: {  	[tilespmem:s3], [sflag:$0x1] =	stream.linear.gather [hbm4b:s0+s3], $0x4E20, $0x38;
	[tilespmem:$0x18860] =	vst v63  }
.LBB2_2:
0x1e: {  	s0 =	smul.u32 $0x4E2, s29;
	_ =	sdelay $0x1  }
0x1f: {  	s1 =	sadd.s32 s0, s10  }
0x20: {  	s30 =	sshll.u32 s1, $0x2  }
0x21: {  	s1 =	sand.u32 $0xFFFFFFC, s30  }
0x22: {  	s1 =	sadd.s32 s4, s1  }
0x23: {  	[tilespmem:s14], [sflag:$0x2] =	stream.linear.gather [hbm4b:s1+s3], $0x4E20, $0x38;
	[tilespmem:$0x18860] =	vst v63  }
0x24: {  	_ =	swait.ge [sflag:s18], $0x4E20  }
0x25: {  	[sflag:s18] =	ssyncset.done $0x0  }
0x26: {  	s1 =	simm.s32 $0x90;
	[sflag:s18] =	ssyncadd.s32 $0xFFFFB1E0  }
0x27: {  	v3 =	vld [tilespmem:s1+$0x0]  }
0x28: {  	v4 =	vld [tilespmem:s1+$0xFFFFFF70]  }
0x29: {  	v5 =	vld [tilespmem:s1+$0xFFFFFF80]  }
0x2a: {  	v6 =	vld [tilespmem:s1+$0xFFFFFF90]  }
0x2b: {  	v7 =	vld [tilespmem:s1+$0xFFFFFFA0]  }
0x2c: {  	v2 =	vld [tilespmem:s1+$0xFFFFFFB0];
	[tilespmem:s1+$0x9C40] =	vst v3  }
0x2d: {  	[tilespmem:s1+$0x9BB0] =	vst v4;
	v3 =	vld [tilespmem:s1+$0xFFFFFFC0]  }
0x2e: {  	[tilespmem:s1+$0x9BC0] =	vst v5;
	v4 =	vld [tilespmem:s1+$0xFFFFFFD0]  }
0x2f: {  	[tilespmem:s1+$0x9BD0] =	vst v6;
	v5 =	vld [tilespmem:s1+$0xFFFFFFE0]  }
0x30: {  	s9 =	simm.s32 $0x130;
	s15 =	simm.s32 $0x740;
	[tilespmem:s1+$0x9BE0] =	vst v7;
	v6 =	vld [tilespmem:s1+$0xFFFFFFF0]  }
.LBB2_3:
0x31: {  	p0 =	sne.s32 s15, $0x13840;
	v7 =	vld [tilespmem:s9+$0x0];
	[tilespmem:s1+$0x9BF0] =	vst v2  }
0x32: {  	v8 =	vld [tilespmem:s9+$0xFFFFFF70];
	[tilespmem:s1+$0x9C00] =	vst v3  }
0x33: {  	v9 =	vld [tilespmem:s9+$0xFFFFFF80];
	[tilespmem:s1+$0x9C10] =	vst v4  }
0x34: {  	v10 =	vld [tilespmem:s9+$0xFFFFFF90];
	[tilespmem:s1+$0x9C20] =	vst v5  }
0x35: {  	v11 =	vld [tilespmem:s9+$0xFFFFFFA0];
	[tilespmem:s1+$0x9C30] =	vst v6;
	s1 =	smov.u32 s9  }
.Ltmp0:
0x36: {  	v2 =	vld [tilespmem:s1+$0xFFFFFFB0];
	[tilespmem:s1+$0x9C40] =	vst v7;
	(pc) =	sbr.rel @p0 .LBB2_3-.Ltmp0, $4  }
0x37: {  	[tilespmem:s1+$0x9BB0] =	vst v8;
	v3 =	vld [tilespmem:s1+$0xFFFFFFC0]  }
0x38: {  	[tilespmem:s1+$0x9BC0] =	vst v9;
	v4 =	vld [tilespmem:s1+$0xFFFFFFD0]  }
0x39: {  	[tilespmem:s1+$0x9BD0] =	vst v10;
	v5 =	vld [tilespmem:s1+$0xFFFFFFE0]  }
0x3a: {  	s9 =	sshra.s32 s15, $0x2;
	s15 =	sadd.s32 $0x280, s15;
	[tilespmem:s1+$0x9BE0] =	vst v11;
	v6 =	vld [tilespmem:s1+$0xFFFFFFF0]  }
0x3b: {  	v7 =	vld [tilespmem:s9+$0x0];
	[tilespmem:s1+$0x9BF0] =	vst v2  }
0x3c: {  	v2 =	vld [tilespmem:s9+$0xFFFFFF70];
	[tilespmem:s1+$0x9C00] =	vst v3  }
0x3d: {  	v3 =	vld [tilespmem:s9+$0xFFFFFF80];
	[tilespmem:s1+$0x9C10] =	vst v4  }
0x3e: {  	v4 =	vld [tilespmem:s9+$0xFFFFFF90];
	[tilespmem:s1+$0x9C20] =	vst v5  }
0x3f: {  	v5 =	vld [tilespmem:s9+$0xFFFFFFA0];
	[tilespmem:s1+$0x9C30] =	vst v6  }
0x40: {  	v6 =	vld [tilespmem:s9+$0xFFFFFFB0];
	[tilespmem:s9+$0x9C40] =	vst v7  }
0x41: {  	[tilespmem:s9+$0x9BB0] =	vst v2;
	v2 =	vld [tilespmem:s9+$0xFFFFFFC0]  }
0x42: {  	[tilespmem:s9+$0x9BC0] =	vst v3;
	v3 =	vld [tilespmem:s9+$0xFFFFFFD0]  }
0x43: {  	[tilespmem:s9+$0x9BD0] =	vst v4;
	v4 =	vld [tilespmem:s9+$0xFFFFFFE0]  }
0x44: {  	[tilespmem:s9+$0x9BE0] =	vst v5;
	v5 =	vld [tilespmem:s9+$0xFFFFFFF0]  }
0x45: {  	[tilespmem:s9+$0x9BF0] =	vst v6  }
0x46: {  	[tilespmem:s9+$0x9C00] =	vst v2  }
0x47: {  	s31 =	sadd.s32 s6, s0;
	[tilespmem:s9+$0x9C10] =	vst v3  }
0x48: {  	p0 =	seq.s32 s29, $0x18;
	s1 =	sshll.u32 s31, $0x2;
	[tilespmem:s9+$0x9C20] =	vst v4  }
0x49: {  	s0 =	sadd.s32 @!p0 s0, s11;
	s1 =	sadd.s32 s1, s2;
	[tilespmem:s9+$0x9C30] =	vst v5  }
0x4a: {  	[hbm4b:s1+s3] =	stream.linear.scatter [tilespmem:s19], [sflag:$0x3], $0x4E20, $0x38;
	[tilespmem:$0x18860] =	vst v63  }
0x4b: {  	s0 =	sshll.u32 @!p0 s0, $0x2;
	_ =	swait.ge [sflag:s16], $0x4E20  }
0x4c: {  	s0 =	sand.u32 @!p0 $0xFFFFFF8, s0;
	[sflag:s16] =	ssyncset.done $0x0  }
0x4d: {  	s0 =	sadd.s32 @!p0 s4, s0;
	s1 =	simm.s32 @!p0 $0x0;
	[sflag:s16] =	ssyncadd.s32 $0xFFFFB1E0  }
0x4e: {  	[tilespmem:s1], [sflag:$0x1] =	stream.linear.gather @!p0 [hbm4b:s0+s1], $0x4E20, $0x38;
	[tilespmem:$0x18860] =	vst v63  }
0x4f: {  	_ =	swait.ge [sflag:s20], $0x4E20  }
0x50: {  	[sflag:s20] =	ssyncset.done $0x0  }
0x51: {  	s0 =	simm.s32 $0x90;
	[sflag:s20] =	ssyncadd.s32 $0xFFFFB1E0  }
0x52: {  	v3 =	vld [tilespmem:s0+$0x4E20]  }
0x53: {  	v4 =	vld [tilespmem:s0+$0x4D90]  }
0x54: {  	v5 =	vld [tilespmem:s0+$0x4DA0]  }
0x55: {  	v6 =	vld [tilespmem:s0+$0x4DB0]  }
0x56: {  	v7 =	vld [tilespmem:s0+$0x4DC0]  }
0x57: {  	v2 =	vld [tilespmem:s0+$0x4DD0];
	[tilespmem:s0+$0x9C40] =	vst v3  }
0x58: {  	[tilespmem:s0+$0x9BB0] =	vst v4;
	v3 =	vld [tilespmem:s0+$0x4DE0]  }
0x59: {  	[tilespmem:s0+$0x9BC0] =	vst v5;
	v4 =	vld [tilespmem:s0+$0x4DF0]  }
0x5a: {  	[tilespmem:s0+$0x9BD0] =	vst v6;
	v5 =	vld [tilespmem:s0+$0x4E00]  }
0x5b: {  	s9 =	simm.s32 $0x740;
	s1 =	simm.s32 $0x130;
	[tilespmem:s0+$0x9BE0] =	vst v7;
	v6 =	vld [tilespmem:s0+$0x4E10]  }
.LBB2_5:
0x5c: {  	p0 =	sne.s32 s9, $0x13840;
	v7 =	vld [tilespmem:s1+$0x4E20];
	[tilespmem:s0+$0x9BF0] =	vst v2  }
0x5d: {  	v8 =	vld [tilespmem:s1+$0x4D90];
	[tilespmem:s0+$0x9C00] =	vst v3  }
0x5e: {  	v9 =	vld [tilespmem:s1+$0x4DA0];
	[tilespmem:s0+$0x9C10] =	vst v4  }
0x5f: {  	v10 =	vld [tilespmem:s1+$0x4DB0];
	[tilespmem:s0+$0x9C20] =	vst v5  }
0x60: {  	v11 =	vld [tilespmem:s1+$0x4DC0];
	[tilespmem:s0+$0x9C30] =	vst v6;
	s0 =	smov.u32 s1  }
.Ltmp1:
0x61: {  	v2 =	vld [tilespmem:s0+$0x4DD0];
	[tilespmem:s0+$0x9C40] =	vst v7;
	(pc) =	sbr.rel @p0 .LBB2_5-.Ltmp1, $4  }
0x62: {  	[tilespmem:s0+$0x9BB0] =	vst v8;
	v3 =	vld [tilespmem:s0+$0x4DE0]  }
0x63: {  	[tilespmem:s0+$0x9BC0] =	vst v9;
	v4 =	vld [tilespmem:s0+$0x4DF0]  }
0x64: {  	[tilespmem:s0+$0x9BD0] =	vst v10;
	v5 =	vld [tilespmem:s0+$0x4E00]  }
0x65: {  	s1 =	sshra.s32 s9, $0x2;
	s9 =	sadd.s32 $0x280, s9;
	[tilespmem:s0+$0x9BE0] =	vst v11;
	v6 =	vld [tilespmem:s0+$0x4E10]  }
0x66: {  	v7 =	vld [tilespmem:s1+$0x4E20];
	[tilespmem:s0+$0x9BF0] =	vst v2  }
0x67: {  	v2 =	vld [tilespmem:s1+$0x4D90];
	[tilespmem:s0+$0x9C00] =	vst v3  }
0x68: {  	v3 =	vld [tilespmem:s1+$0x4DA0];
	[tilespmem:s0+$0x9C10] =	vst v4  }
0x69: {  	v4 =	vld [tilespmem:s1+$0x4DB0];
	[tilespmem:s0+$0x9C20] =	vst v5  }
0x6a: {  	v5 =	vld [tilespmem:s1+$0x4DC0];
	[tilespmem:s0+$0x9C30] =	vst v6  }
0x6b: {  	v6 =	vld [tilespmem:s1+$0x4DD0];
	[tilespmem:s1+$0x9C40] =	vst v7  }
0x6c: {  	v62 =	vld [tilespmem:s1+$0x4E00];
	[tilespmem:s1+$0x9BB0] =	vst v2  }
0x6d: {  	v63 =	vld [tilespmem:s1+$0x4E10];
	[tilespmem:s1+$0x9BC0] =	vst v3  }
0x6e: {  	v2 =	vld [tilespmem:s1+$0x4DE0];
	[tilespmem:s1+$0x9BD0] =	vst v4  }
0x6f: {  	v3 =	vld [tilespmem:s1+$0x4DF0];
	[tilespmem:s1+$0x9BE0] =	vst v5  }
0x70: {  	[tilespmem:s1+$0x9BF0] =	vst v6  }
0x71: {  	[tilespmem:s1+$0x9C20] =	vst v62  }
0x72: {  	s29 =	sadd.s32 $0x1, s29;
	[tilespmem:s1+$0x9C30] =	vst v63  }
0x73: {  	s31 =	sand.u32 $0x1FFFFFFC, s30;
	p0 =	sne.s32 s29, $0x19;
	[tilespmem:s1+$0x9C00] =	vst v2  }
.Ltmp2:
0x74: {  	s0 =	sadd.s32 s31, s2;
	[tilespmem:s1+$0x9C10] =	vst v3;
	(pc) =	sbr.rel @p0 .LBB2_2-.Ltmp2, $4  }
0x75: {  	[hbm4b:s0+s3] =	stream.linear.scatter [tilespmem:s19], [sflag:$0x3], $0x4E20, $0x38;
	[tilespmem:$0x18860] =	vst v63  }
0x76: {  	_ =	swait.ge [sflag:s16], $0x4E20  }
0x77: {  	[sflag:s16] =	ssyncset.done $0x0  }
0x78: {  	[sflag:s16] =	ssyncadd.s32 $0xFFFFB1E0  }
0x79: {  	[tilespmem:$0x187E0] =	vst v1  }
0x7a: {  	[tilespmem:$0x187F0] =	vst v1  }
0x7b: {  	[tilespmem:$0x18800] =	vst v1  }
0x7c: {  	[tilespmem:$0x18810] =	vst v1  }
0x7d: {  	[tilespmem:$0x18820] =	vst v1  }
0x7e: {  	[tilespmem:$0x18830] =	vst v1  }
0x7f: {  	[tilespmem:$0x18840] =	vst v1  }
0x80: {  	[tilespmem:$0x18850] =	vst v1  }
0x81: {  	[hbm4b:s8+s3] =	stream.linear.scatter [tilespmem:s12], [sflag:$0x3], $0x80, $0x38;
	[tilespmem:$0x18860] =	vst v63  }
0x82: {  	_ =	swait.ge [sflag:s16], $0x80  }
0x83: {  	[sflag:s16] =	ssyncset.done $0x0  }
0x84: {  	[sflag:s16] =	ssyncadd.s32 $0xFFFFFF80  }
.LBB2_8:
0x85: {  	s0 =	simm.s32 $0x0  }
0x86: {  	[tilespmem:s17], [sflag:$0x3] =	stream.linear.gather [hbm4b:s7+s0], $0x1000, $0x38;
	[tilespmem:$0x18860] =	vst v63  }
0x87: {  	_ =	swait.ge [sflag:s16], $0x1000  }
0x88: {  	[sflag:s16] =	ssyncset.done $0x0  }
0x89: {  	s9 =	simm.s32 $0x0;
	[sflag:s16] =	ssyncadd.s32 $0xFFFFF000  }
0x8a: {  	v2 =	vld [tilespmem:s9+$0x177E0]  }
0x8b: {  	v4 =	vld [tilespmem:s9+$0x177F0]  }
0x8c: {  	v6 =	vld [tilespmem:s9+$0x17800]  }
0x8d: {  	v5 =	vld [tilespmem:s9+$0x17810]  }
0x8e: {  	v3 =	vld [tilespmem:s9+$0x17820]  }
0x8f: {  	vm0 =	veq.s32 v2, $0x1;
	v2 =	vld [tilespmem:s9+$0x17830]  }
0x90: {  	v7 =	vimm.s32 $0x0;
	v8 =	vsel vm0, $0x1, v0;
	vm0 =	veq.s32 v4, $0x1;
	v4 =	vld [tilespmem:s9+$0x17840]  }
0x91: {  	s1 =	simm.s32 $0x400;
	s0 =	simm.s32 $0x80;
	v7 =	vadd.s32 v8, v7;
	v8 =	vsel vm0, $0x1, v0;
	vm0 =	veq.s32 v6, $0x1;
	v6 =	vld [tilespmem:s9+$0x17850]  }
.LBB2_9:
0x92: {  	p0 =	sne.s32 s1, $0x3E00;
	v9 =	vld [tilespmem:s0+$0x177E0];
	v7 =	vadd.s32 v8, v7;
	v8 =	vsel vm0, $0x1, v0;
	vm0 =	veq.s32 v5, $0x1  }
0x93: {  	v10 =	vld [tilespmem:s0+$0x177F0];
	v5 =	vadd.s32 v8, v7;
	v7 =	vsel vm0, $0x1, v0;
	vm0 =	veq.s32 v3, $0x1  }
0x94: {  	v11 =	vld [tilespmem:s0+$0x17800];
	v3 =	vadd.s32 v7, v5;
	v7 =	vsel vm0, $0x1, v0;
	vm0 =	veq.s32 v2, $0x1  }
.Ltmp3:
0x95: {  	v5 =	vld [tilespmem:s0+$0x17810];
	v2 =	vadd.s32 v7, v3;
	v7 =	vsel vm0, $0x1, v0;
	vm0 =	veq.s32 v4, $0x1;
	(pc) =	sbr.rel @p0 .LBB2_9-.Ltmp3, $4  }
0x96: {  	v3 =	vld [tilespmem:s0+$0x17820];
	v4 =	vadd.s32 v7, v2;
	v7 =	vsel vm0, $0x1, v0;
	vm0 =	veq.s32 v6, $0x1  }
0x97: {  	vm1 =	veq.s32 v9, $0x1;
	v2 =	vld [tilespmem:s0+$0x17830];
	v6 =	vadd.s32 v7, v4;
	v7 =	vsel vm0, $0x1, v0  }
0x98: {  	v8 =	vsel vm1, $0x1, v0;
	vm0 =	veq.s32 v10, $0x1;
	v4 =	vld [tilespmem:s0+$0x17840];
	v6 =	vadd.s32 v7, v6  }
0x99: {  	v7 =	vadd.s32 v8, v6;
	v8 =	vsel vm0, $0x1, v0;
	vm0 =	veq.s32 v11, $0x1;
	v6 =	vld [tilespmem:s0+$0x17850];
	s0 =	sshra.s32 s1, $0x2;
	s1 =	sadd.s32 $0x200, s1  }
0x9a: {  	v9 =	vld [tilespmem:s0+$0x177E0];
	v7 =	vadd.s32 v8, v7;
	v49 =	vsel vm0, $0x1, v0;
	vm4 =	veq.s32 v5, $0x1  }
0x9b: {  	v50 =	vld [tilespmem:s0+$0x177F0];
	v7 =	vadd.s32 v49, v7;
	v51 =	vsel vm4, $0x1, v0;
	vm5 =	veq.s32 v3, $0x1  }
0x9c: {  	v3 =	vld [tilespmem:s0+$0x17800];
	v7 =	vadd.s32 v51, v7;
	v52 =	vsel vm5, $0x1, v0;
	vm6 =	veq.s32 v2, $0x1  }
0x9d: {  	v2 =	vld [tilespmem:s0+$0x17810];
	v7 =	vadd.s32 v52, v7;
	v53 =	vsel vm6, $0x1, v0;
	vm7 =	veq.s32 v4, $0x1  }
0x9e: {  	v54 =	vld [tilespmem:s0+$0x17820];
	v7 =	vadd.s32 v53, v7;
	v55 =	vsel vm7, $0x1, v0;
	vm8 =	veq.s32 v6, $0x1  }
0x9f: {  	v56 =	vld [tilespmem:s0+$0x17830];
	vm1 =	veq.s32 v9, $0x1;
	v7 =	vadd.s32 v55, v7;
	v57 =	vsel vm8, $0x1, v0  }
0xa0: {  	v58 =	vld [tilespmem:s0+$0x17840];
	vm9 =	veq.s32 v50, $0x1;
	v9 =	vsel vm1, $0x1, v0;
	v7 =	vadd.s32 v57, v7  }
0xa1: {  	v59 =	vsel vm9, $0x1, v0;
	vm10 =	veq.s32 v3, $0x1;
	v3 =	vld [tilespmem:s0+$0x17850];
	v7 =	vadd.s32 v9, v7  }
0xa2: {  	v60 =	vsel vm10, $0x1, v0;
	vm11 =	veq.s32 v2, $0x1;
	v7 =	vadd.s32 v59, v7  }
0xa3: {  	vm12 =	veq.s32 v54, $0x1;
	v61 =	vsel vm11, $0x1, v0;
	v2 =	vadd.s32 v60, v7  }
0xa4: {  	vm13 =	veq.s32 v56, $0x1;
	v4 =	vsel vm12, $0x1, v0;
	v2 =	vadd.s32 v61, v2  }
0xa5: {  	vm14 =	veq.s32 v58, $0x1;
	v62 =	vsel vm13, $0x1, v0;
	v2 =	vadd.s32 v4, v2  }
0xa6: {  	v63 =	vsel vm14, $0x1, v0;
	vm15 =	veq.s32 v3, $0x1;
	v2 =	vadd.s32 v62, v2  }
0xa7: {  	v3 =	vsel vm15, $0x1, v0;
	v2 =	vadd.s32 v63, v2  }
0xa8: {  	v2 =	vadd.s32 v3, v2  }
0xa9: {  	(xrf0) =	vadd.scan.msk.s32 $0xffff, v2;
	_ =	sdelay $0x5  }
0xaa: {  	v2, _, _ =	vpop (xrf0)  }
0xab: {  	(v2sf) =	vpush v2, $0xF;
	_ =	sdelay $0xe  }
0xac: {  	s31 =	spop (v2sf)  }
0xad: {  	p0 =	sne.s32 s31, $0x1000  }
.Ltmp4:
0xae: {  	_ = 	snop;
	(pc) =	sbr.rel @p0 .LBB2_8-.Ltmp4, $1  }
0xaf: {  	_ =	sdelay $0x3  }
0xb0: {  	s29 =	simm.s32 $0x0;
	s0 =	rddreg [dreg:$0x6];
	s1 =	simm.s32 $0xEA60  }
0xb1: {  	[tilespmem:s1], [sflag:$0x3] =	stream.linear.gather [hbm4b:s0+s29], $0x6800, $0x38;
	[tilespmem:$0x18860] =	vst v63  }
0xb2: {  	_ =	swait.ge [sflag:s16], $0x6800  }
0xb3: {  	[sflag:s16] =	ssyncset.done $0x0  }
0xb4: {  	s31 =	simm.s32 $0x15260;
	[sflag:s16] =	ssyncadd.s32 $0xFFFF9800  }
0xb5: {  	[tilespmem:s31], [sflag:$0x1] =	stream.indirect.gather [hbm4b:s2+s23], $0x20, s1, s23, $0xb8;
	[tilespmem:$0x18860] =	vst v63  }
.LBB2_12:
0xb6: {  	s30 =	sshllo.u32 s29, $0x1  }
0xb7: {  	s0 =	smul.u32 $0x1A0, s30;
	_ =	sdelay $0x1  }
0xb8: {  	s0 =	sshra.s32 s0, $0x2  }
0xb9: {  	s1 =	simm.s32 $0x15EE0;
	s0 =	sadd.s32 $0xEA60, s0  }
0xba: {  	[tilespmem:s1], [sflag:$0x2] =	stream.indirect.gather [hbm4b:s2+s23], $0x20, s0, s23, $0xb8;
	[tilespmem:$0x18860] =	vst v63  }
0xbb: {  	_ =	swait.ge [sflag:s18], $0xC80  }
0xbc: {  	[sflag:s18] =	ssyncset.done $0x0  }
0xbd: {  	s28 =	simm.s32 $0x152B0;
	[sflag:s18] =	ssyncadd.s32 $0xFFFFF380  }
0xbe: {  	v2 =	vld [tilespmem:s28+$0xFFFFFFB0]  }
0xbf: {  	p0 =	por $0x1, $0x1;
	s9 =	simm.s32 $0x0;
	s1 =	simm.s32 $0xFFFFF380  }
0xc0: {  	p1 =	por $0x0, $0x0;
	s1 =	smov.u32 @p0 s9;
	s9 =	simm.s32 $0x171A0  }
0xc1: {  	s9 =	simm.s32 @!p1 $0x16B60;
	s1 =	sshra.s32 s1, $0x1  }
0xc2: {  	s1 =	sadd.s32 s1, s9  }
0xc3: {  	[tilespmem:s1+$0x0] =	vst v2  }
0xc4: {  	v2 =	vld [tilespmem:s28+$0xFFFFFFC0];
	_ =	sdelay $0x4  }
0xc5: {  	[tilespmem:s1+$0x10] =	vst v2  }
0xc6: {  	s15 =	simm.s32 $0x1;
	s1 =	simm.s32 $0x1FFFFCF;
	v2 =	vld [tilespmem:s28+$0xFFFFFFD0]  }
0xc7: {  	s1 =	smov.u32 @p0 s15  }
0xc8: {  	s1 =	sshll.u32 s1, $0x7  }
0xc9: {  	s1 =	sshra.s32 s1, $0x2  }
0xca: {  	s1 =	sadd.s32 s1, s9  }
0xcb: {  	[tilespmem:s1+$0x0] =	vst v2  }
0xcc: {  	v2 =	vld [tilespmem:s28+$0xFFFFFFE0];
	_ =	sdelay $0x4  }
0xcd: {  	[tilespmem:s1+$0x10] =	vst v2  }
0xce: {  	s15 =	simm.s32 $0x2;
	s1 =	simm.s32 $0x1FFFFD0;
	v2 =	vld [tilespmem:s28+$0xFFFFFFF0]  }
0xcf: {  	s1 =	smov.u32 @p0 s15  }
0xd0: {  	s1 =	sshll.u32 s1, $0x7  }
0xd1: {  	s1 =	sshra.s32 s1, $0x2  }
0xd2: {  	s1 =	sadd.s32 s1, s9  }
0xd3: {  	[tilespmem:s1+$0x0] =	vst v2  }
0xd4: {  	v2 =	vld [tilespmem:s28+$0x0];
	_ =	sdelay $0x4  }
0xd5: {  	[tilespmem:s1+$0x10] =	vst v2  }
0xd6: {  	s15 =	simm.s32 $0x1FFFFD1;
	s1 =	simm.s32 $0x3;
	v2 =	vld [tilespmem:s28+$0x10]  }
0xd7: {  	s15 =	smov.u32 @p0 s1  }
0xd8: {  	s1 =	sshll.u32 s15, $0x7  }
0xd9: {  	s1 =	sshra.s32 s1, $0x2  }
0xda: {  	s1 =	sadd.s32 s1, s9  }
0xdb: {  	[tilespmem:s1+$0x0] =	vst v2  }
0xdc: {  	v2 =	vld [tilespmem:s28+$0x20];
	_ =	sdelay $0x4  }
0xdd: {  	[tilespmem:s1+$0x10] =	vst v2  }
0xde: {  	s15 =	simm.s32 $0x4;
	s1 =	simm.s32 $0x1FFFFD2;
	v2 =	vld [tilespmem:s28+$0x30]  }
0xdf: {  	s1 =	smov.u32 @p0 s15  }
0xe0: {  	s1 =	sshll.u32 s1, $0x7  }
0xe1: {  	s1 =	sshra.s32 s1, $0x2  }
0xe2: {  	s9 =	sadd.s32 s1, s9  }
0xe3: {  	[tilespmem:s9+$0x0] =	vst v2  }
0xe4: {  	v2 =	vld [tilespmem:s28+$0x40];
	_ =	sdelay $0x1  }
0xe5: {  	s31 =	simm.s32 $0x1  }
0xe6: {  	s21 =	simm.s32 $0xFFFFF4C0;
	s15 =	simm.s32 $0x1FFFFD7;
	s1 =	simm.s32 $0x15350  }
.LBB2_13:
0xe7: {  	s22 =	sadd.s32 $0xFFFFFFFD, s15  }
0xe8: {  	s12 =	sadd.s32 $0xFFFFFFFE, s15;
	s14 =	sadd.s32 $0xFE000031, s15;
	[tilespmem:s9+$0x10] =	vst v2;
	s9 =	smov.u32 s15  }
0xe9: {  	s8 =	sadd.s32 $0xFE000030, s15;
	s28 =	sadd.s32 $0xFFFFFFFF, s15;
	p0 =	slt.u32 s31, $0xA  }
0xea: {  	s24 =	sadd.s32 $0xC80, s21;
	s0 =	smov.u32 s21;
	v2 =	vld [tilespmem:s1+$0xFFFFFFB0];
	s9 =	sadd.s32 $0xFE00002F, s15  }
0xeb: {  	s17 =	sadd.s32 $0xFE000032, s15;
	p1 =	sgt.u32 s31, $0x9;
	s0 =	smov.u32 @p0 s24  }
0xec: {  	s24 =	simm.s32 $0x171A0;
	s12 =	smov.u32 @p0 s8;
	s22 =	smov.u32 @p0 s9  }
0xed: {  	s24 =	simm.s32 @!p1 $0x16B60;
	s0 =	sshra.s32 s0, $0x1;
	s9 =	sshll.u32 s22, $0x7  }
0xee: {  	s0 =	sadd.s32 s0, s24;
	s25 =	sshra.s32 s9, $0x2;
	s9 =	smov.u32 s15  }
0xef: {  	s28 =	smov.u32 @p0 s14;
	s8 =	sshll.u32 s12, $0x7;
	s9 =	smov.u32 @p0 s17;
	[tilespmem:s0+$0x0] =	vst v2  }
0xf0: {  	s12 =	sshll.u32 s28, $0x7;
	s8 =	sshra.s32 s8, $0x2;
	s9 =	sshll.u32 s9, $0x7;
	v2 =	vld [tilespmem:s1+$0xFFFFFFC0]  }
0xf1: {  	s12 =	sshra.s32 s12, $0x2;
	s22 =	sadd.s32 $0x5, s15;
	s9 =	sshra.s32 s9, $0x2  }
0xf2: {  	p0 =	sne.s32 s15, $0x2000031;
	_ =	sdelay $0x2  }
0xf3: {  	[tilespmem:s0+$0x10] =	vst v2  }
0xf4: {  	v2 =	vld [tilespmem:s1+$0xFFFFFFD0];
	_ =	sdelay $0x3  }
0xf5: {  	s0 =	sadd.s32 s25, s24  }
0xf6: {  	[tilespmem:s0+$0x0] =	vst v2  }
0xf7: {  	v2 =	vld [tilespmem:s1+$0xFFFFFFE0];
	_ =	sdelay $0x4  }
0xf8: {  	[tilespmem:s0+$0x10] =	vst v2  }
0xf9: {  	v2 =	vld [tilespmem:s1+$0xFFFFFFF0];
	_ =	sdelay $0x3  }
0xfa: {  	s0 =	sadd.s32 s8, s24  }
0xfb: {  	[tilespmem:s0+$0x0] =	vst v2  }
0xfc: {  	v2 =	vld [tilespmem:s1+$0x0];
	_ =	sdelay $0x4  }
0xfd: {  	[tilespmem:s0+$0x10] =	vst v2  }
0xfe: {  	v2 =	vld [tilespmem:s1+$0x10];
	_ =	sdelay $0x3  }
0xff: {  	s0 =	sadd.s32 s12, s24  }
0x100: {  	[tilespmem:s0+$0x0] =	vst v2  }
0x101: {  	v2 =	vld [tilespmem:s1+$0x20];
	_ =	sdelay $0x4  }
0x102: {  	[tilespmem:s0+$0x10] =	vst v2  }
0x103: {  	v2 =	vld [tilespmem:s1+$0x30];
	_ =	sdelay $0x3  }
0x104: {  	s9 =	sadd.s32 s9, s24  }
0x105: {  	[tilespmem:s9+$0x0] =	vst v2  }
.Ltmp5:
0x106: {  	v2 =	vld [tilespmem:s1+$0x40];
	(pc) =	sbr.rel @p0 .LBB2_13-.Ltmp5, $3  }
0x107: {  	_ =	sdelay $0x1  }
0x108: {  	s31 =	sadd.s32 $0x1, s31  }
0x109: {  	s21 =	sadd.s32 $0x140, s21;
	s15 =	smov.u32 s22;
	s1 =	sadd.s32 $0xA0, s1  }
0x10a: {  	s0 =	sshll.u32 s29, $0x2  }
0x10b: {  	s0 =	sadd.s32 s13, s0  }
0x10c: {  	s0 =	smul.u32 $0xC8, s0;
	_ =	sdelay $0x1  }
0x10d: {  	[tilespmem:s9+$0x10] =	vst v2;
	p0 =	seq.s32 s29, $0x7F;
	s0 =	sadd.s32 s5, s0  }
0x10e: {  	[hbm4b:s0+s3] =	stream.linear.scatter [tilespmem:s26], [sflag:$0x3], $0xC80, $0x38;
	[tilespmem:$0x18860] =	vst v63  }
0x10f: {  	s0 =	smul.u32 @!p0 $0x340, s29  }
0x110: {  	_ =	swait.ge [sflag:s16], $0xC80  }
0x111: {  	s1 =	simm.s32 @!p0 $0x64;
	[sflag:s16] =	ssyncset.done $0x0;
	s0 =	sshra.s32 @!p0 s0, $0x2  }
0x112: {  	s8 =	simm.s32 @!p0 $0x15260;
	[sflag:s16] =	ssyncadd.s32 $0xFFFFF380;
	s0 =	sadd.s32 @!p0 $0xEB30, s0  }
0x113: {  	[tilespmem:s8], [sflag:$0x1] =	stream.indirect.gather @!p0 [hbm4b:s2+s1], $0x20, s0, s1, $0xb8;
	[tilespmem:$0x18860] =	vst v63  }
0x114: {  	_ =	swait.ge [sflag:s20], $0xC80  }
0x115: {  	[sflag:s20] =	ssyncset.done $0x0  }
0x116: {  	s28 =	simm.s32 $0x15F30;
	[sflag:s20] =	ssyncadd.s32 $0xFFFFF380  }
0x117: {  	v2 =	vld [tilespmem:s28+$0xFFFFFFB0]  }
0x118: {  	s1 =	simm.s32 $0xFFFFF380;
	p0 =	por $0x1, $0x1;
	s8 =	simm.s32 $0x0  }
0x119: {  	p1 =	por $0x0, $0x0;
	s1 =	smov.u32 @p0 s8;
	s8 =	simm.s32 $0x171A0  }
0x11a: {  	s8 =	simm.s32 @!p1 $0x16B60;
	s1 =	sshra.s32 s1, $0x1  }
0x11b: {  	s1 =	sadd.s32 s1, s8  }
0x11c: {  	[tilespmem:s1+$0x0] =	vst v2  }
0x11d: {  	v2 =	vld [tilespmem:s28+$0xFFFFFFC0];
	_ =	sdelay $0x4  }
0x11e: {  	[tilespmem:s1+$0x10] =	vst v2  }
0x11f: {  	s9 =	simm.s32 $0x1;
	s1 =	simm.s32 $0x1FFFFCF;
	v2 =	vld [tilespmem:s28+$0xFFFFFFD0]  }
0x120: {  	s1 =	smov.u32 @p0 s9  }
0x121: {  	s1 =	sshll.u32 s1, $0x7  }
0x122: {  	s1 =	sshra.s32 s1, $0x2  }
0x123: {  	s1 =	sadd.s32 s1, s8  }
0x124: {  	[tilespmem:s1+$0x0] =	vst v2  }
0x125: {  	v2 =	vld [tilespmem:s28+$0xFFFFFFE0];
	_ =	sdelay $0x4  }
0x126: {  	[tilespmem:s1+$0x10] =	vst v2  }
0x127: {  	s9 =	simm.s32 $0x2;
	s1 =	simm.s32 $0x1FFFFD0;
	v2 =	vld [tilespmem:s28+$0xFFFFFFF0]  }
0x128: {  	s1 =	smov.u32 @p0 s9  }
0x129: {  	s1 =	sshll.u32 s1, $0x7  }
0x12a: {  	s1 =	sshra.s32 s1, $0x2  }
0x12b: {  	s1 =	sadd.s32 s1, s8  }
0x12c: {  	[tilespmem:s1+$0x0] =	vst v2  }
0x12d: {  	v2 =	vld [tilespmem:s28+$0x0];
	_ =	sdelay $0x4  }
0x12e: {  	[tilespmem:s1+$0x10] =	vst v2  }
0x12f: {  	s9 =	simm.s32 $0x1FFFFD1;
	s1 =	simm.s32 $0x3;
	v2 =	vld [tilespmem:s28+$0x10]  }
0x130: {  	s9 =	smov.u32 @p0 s1  }
0x131: {  	s1 =	sshll.u32 s9, $0x7  }
0x132: {  	s1 =	sshra.s32 s1, $0x2  }
0x133: {  	s1 =	sadd.s32 s1, s8  }
0x134: {  	[tilespmem:s1+$0x0] =	vst v2  }
0x135: {  	v2 =	vld [tilespmem:s28+$0x20];
	_ =	sdelay $0x4  }
0x136: {  	[tilespmem:s1+$0x10] =	vst v2  }
0x137: {  	s9 =	simm.s32 $0x4;
	s1 =	simm.s32 $0x1FFFFD2;
	v2 =	vld [tilespmem:s28+$0x30]  }
0x138: {  	s1 =	smov.u32 @p0 s9  }
0x139: {  	s1 =	sshll.u32 s1, $0x7  }
0x13a: {  	s1 =	sshra.s32 s1, $0x2  }
0x13b: {  	s9 =	sadd.s32 s1, s8  }
0x13c: {  	[tilespmem:s9+$0x0] =	vst v2  }
0x13d: {  	v2 =	vld [tilespmem:s28+$0x40];
	_ =	sdelay $0x1  }
0x13e: {  	s22 =	simm.s32 $0x1FFFFD7  }
0x13f: {  	s31 =	simm.s32 $0x1;
	s0 =	simm.s32 $0xFFFFF4C0;
	s1 =	simm.s32 $0x15FD0  }
.LBB2_15:
0x140: {  	s8 =	sadd.s32 $0xFFFFFFFD, s22;
	s12 =	sadd.s32 $0xFFFFFFFE, s22  }
0x141: {  	s14 =	sadd.s32 $0xFE000031, s22;
	[tilespmem:s9+$0x10] =	vst v2;
	s9 =	smov.u32 s22;
	s15 =	sadd.s32 $0xFE000030, s22  }
0x142: {  	s17 =	sadd.s32 $0xFFFFFFFF, s22;
	p0 =	slt.u32 s31, $0xA;
	s21 =	sadd.s32 $0xC80, s0  }
0x143: {  	s25 =	sadd.s32 $0xFE000032, s22;
	s28 =	smov.u32 s0;
	v2 =	vld [tilespmem:s1+$0xFFFFFFB0];
	s9 =	sadd.s32 $0xFE00002F, s22  }
0x144: {  	p1 =	sgt.u32 s31, $0x9;
	s24 =	simm.s32 $0x171A0;
	s28 =	smov.u32 @p0 s21  }
0x145: {  	s24 =	simm.s32 @!p1 $0x16B60;
	s8 =	smov.u32 @p0 s9;
	s9 =	sshra.s32 s28, $0x1  }
0x146: {  	s12 =	smov.u32 @p0 s15;
	s8 =	sshll.u32 s8, $0x7;
	s21 =	sadd.s32 s9, s24  }
0x147: {  	s9 =	sshll.u32 s12, $0x7;
	s12 =	smov.u32 s22;
	s8 =	sshra.s32 s8, $0x2  }
0x148: {  	s17 =	smov.u32 @p0 s14;
	s12 =	smov.u32 @p0 s25;
	[tilespmem:s21+$0x0] =	vst v2  }
0x149: {  	s14 =	sshra.s32 s9, $0x2;
	s9 =	sshll.u32 s17, $0x7;
	s12 =	sshll.u32 s12, $0x7;
	v2 =	vld [tilespmem:s1+$0xFFFFFFC0]  }
0x14a: {  	s15 =	sadd.s32 $0x5, s22;
	s17 =	sshra.s32 s9, $0x2;
	s9 =	sshra.s32 s12, $0x2  }
0x14b: {  	p0 =	sne.s32 s22, $0x2000031;
	_ =	sdelay $0x2  }
0x14c: {  	[tilespmem:s21+$0x10] =	vst v2  }
0x14d: {  	v2 =	vld [tilespmem:s1+$0xFFFFFFD0];
	_ =	sdelay $0x3  }
0x14e: {  	s8 =	sadd.s32 s8, s24  }
0x14f: {  	[tilespmem:s8+$0x0] =	vst v2  }
0x150: {  	v2 =	vld [tilespmem:s1+$0xFFFFFFE0];
	_ =	sdelay $0x4  }
0x151: {  	[tilespmem:s8+$0x10] =	vst v2  }
0x152: {  	v2 =	vld [tilespmem:s1+$0xFFFFFFF0];
	_ =	sdelay $0x3  }
0x153: {  	s8 =	sadd.s32 s14, s24  }
0x154: {  	[tilespmem:s8+$0x0] =	vst v2  }
0x155: {  	v2 =	vld [tilespmem:s1+$0x0];
	_ =	sdelay $0x4  }
0x156: {  	[tilespmem:s8+$0x10] =	vst v2  }
0x157: {  	v2 =	vld [tilespmem:s1+$0x10];
	_ =	sdelay $0x3  }
0x158: {  	s8 =	sadd.s32 s17, s24  }
0x159: {  	[tilespmem:s8+$0x0] =	vst v2  }
0x15a: {  	v2 =	vld [tilespmem:s1+$0x20];
	_ =	sdelay $0x4  }
0x15b: {  	[tilespmem:s8+$0x10] =	vst v2  }
0x15c: {  	v2 =	vld [tilespmem:s1+$0x30];
	_ =	sdelay $0x3  }
0x15d: {  	s9 =	sadd.s32 s9, s24  }
0x15e: {  	[tilespmem:s9+$0x0] =	vst v2  }
.Ltmp6:
0x15f: {  	v2 =	vld [tilespmem:s1+$0x40];
	(pc) =	sbr.rel @p0 .LBB2_15-.Ltmp6, $3  }
0x160: {  	_ =	sdelay $0x1  }
0x161: {  	s31 =	sadd.s32 $0x1, s31  }
0x162: {  	s0 =	sadd.s32 $0x140, s0;
	s22 =	smov.u32 s15;
	s1 =	sadd.s32 $0xA0, s1  }
0x163: {  	s0 =	sshll.u32 s30, $0x1  }
0x164: {  	s0 =	sadd.s32 s13, s0  }
0x165: {  	s29 =	sadd.s32 $0x1, s29;
	s0 =	smul.u32 $0xC8, s0  }
0x166: {  	p0 =	sne.s32 s29, $0x80  }
.Ltmp7:
0x167: {  	[tilespmem:s9+$0x10] =	vst v2;
	s0 =	sadd.s32 s5, s0;
	(pc) =	sbr.rel @p0 .LBB2_12-.Ltmp7, $4  }
0x168: {  	[hbm4b:s0+s3] =	stream.linear.scatter [tilespmem:s26], [sflag:$0x3], $0xC80, $0x38;
	[tilespmem:$0x18860] =	vst v63  }
0x169: {  	_ =	swait.ge [sflag:s16], $0xC80  }
0x16a: {  	[sflag:s16] =	ssyncset.done $0x0  }
0x16b: {  	[sflag:s16] =	ssyncadd.s32 $0xFFFFF380  }
0x16c: {  	s1 =	rddreg [dreg:$0x8]  }
0x16d: {  	s0 =	rddreg [dreg:$0x7];
	s1 =	sadd.s32 $0x1, s1  }
0x16e: {  	p0 =	sne.s32 s1, s0  }
.Ltmp8:
0x16f: {  	_ = 	snop;
	(pc) =	sbr.rel @p0 .LBB2_1-.Ltmp8, $3  }
0x170: {  	_ =	sdelay $0x1  }
0x171: {  	s8 =	rddreg [dreg:$0x4]  }
0x172: {  	s12 =	simm.s32 $0x187E0;
	s14 =	simm.s32 $0x4E20;
	s17 =	simm.s32 $0x177E0  }
0x173: {  	_ =	sfence.sel $0x180000  }
0x174: {  	[bflag:$0x0] =	sbarrier.arrive $0xFFFF  }
0x175: {  	_ =	strace $0x9000004A  }
0x176: {  	s0 =	stileid.u32;
	[bflag:$0x2] =	sbarrier.arrive $0xFFFF  }
0x177: {  	p0 =	sne.s32 s0, $0x0;
	s0 =	rddreg [dreg:$0x3]  }
0x178: {  	s0 =	sadd.s32 @!p0 $0x100000, s0  }
0x179: {  	[sflag:s0] =	ssyncadd.tile.s32 @!p0 $0x1;
	_ =	shalt  }
.Lfunc_end2:
_tile_overlayer_lowered:
.L_overlay_start_2:
0x17a: {  	(tag) =	ssettag $0x2  }
0x17b: {  	s0 =	rddreg [dreg:$0x0];
	s2 =	stileid.u32  }
0x17c: {  	s1 =	rddreg [dreg:$0x1];
	p0 =	sne.s32 s2, $0x0  }
0x17d: {  	s3 =	rddreg [dreg:$0x2];
	[bflag:$0x3] =	sbarrier.arrive $0xFFFF;
	s2 =	simm.s32 @!p0 $0x1C03  }
0x17e: {  	[timem:s3], [sflag:s2] =	dma.local @!p0 [hbm:s0], s1  }
0x17f: {  	s0 =	simm.s32 @!p0 $0x3  }
0x180: {  	_ =	swait.ge @!p0 [sflag:s0], s1  }
0x181: {  	s1 =	ssub.s32 @!p0 $0x0, s1;
	[sflag:s0] =	ssyncset.done @!p0 $0x0  }
0x182: {  	[sflag:s0] =	ssyncadd.s32 @!p0 s1  }
0x183: {  	[bflag:$0x3] =	sbarrier.arrive $0xFFFF  }
0x184: {  	_ =	shalt  }

// kernel: sparse-core-data-format-call.1.cloned.1.call-start
scs
called_computation.1_lowered:
.L_overlay_start_0:
0x0: {  	s1 =	sld [smem:$0x3FD9]  }
0x1: {  	s2 =	sld [smem:$0x3FFE];
	_ =	sdelay $0x1  }
0x2: {  	s3 =	srdreg.scid  }
0x3: {  	s0 =	sand.u32 $0x1, s3  }
0x4: {  	s17 =	sshll.u32 s0, $0xA;
	s1 =	sadd.s32 s2, s1  }
0x5: {  	s1 =	sadd.s32 s1, s17  }
0x6: {  	[smem:$0x3FC6] =	sst s1  }
0x7: {  	_ = 	snop  }
0x8: {  	(tm) =	ssettm $0x1  }
0x9: {  	s18 =	sld [smem:$0x3FFB];
	_ =	sdelay $0x3  }
0xa: {  	_ =	strace s18  }
0xb: {  	s1 =	sld [smem:$0x3FFC];
	_ =	sdelay $0x3  }
0xc: {  	_ =	strace s1  }
0xd: {  	s1 =	sld [smem:$0x3FFD];
	_ =	sdelay $0x3  }
0xe: {  	_ =	strace s1  }
0xf: {  	_ =	strace $0x8FFFFFFF  }
0x10: {  	s19 =	sld [smem:$0x3FDB];
	_ =	sdelay $0x1  }
0x11: {  	s20 =	simm.s32 $_scs_section_size  }
0x12: {  	s4 =	simm.s32 $_size__tile_overlayer_lowered;
	s5 =	simm.s32 $_tile_overlayer_lowered  }
0x13: {  	s23 =	simm.s32 $0x1BFF;
	s22 =	sshll.u32 s5, $0x1;
	s1 =	sadd.s32 s20, s19  }
0x14: {  	s6 =	simm.s32 $0x0;
	s21 =	sshll.u32 s4, $0x1;
	s4 =	sadd.s32 s22, s1  }
0x15: {  	[timem:s6], [sflag:s23] =	dma.local [hbm:s4], s21  }
0x16: {  	_ =	swait.ge [sflag:s23], s21  }
0x17: {  	s2 =	ssub.s32 $0x0, s21;
	[sflag:s23] =	ssyncset.done $0x0  }
0x18: {  	[sflag:s23] =	ssyncadd.s32 s2;
	_ =	sdelay $0x1  }
0x19: {  	s24 =	simm.s32 $0x1B8B  }
0x1a: {  	_ =	swait.ge [sflag:s24], $0x1  }
0x1b: {  	[sflag:s24] =	ssyncset.done $0x0  }
0x1c: {  	s26 =	simm.s32 $0x1B8E;
	s25 =	sld [smem:$0x3FFE];
	[sflag:s24] =	ssyncadd.s32 $0xFFFFFFFF  }
0x1d: {  	s27 =	simm.s32 $execute0_lowered;
	[smem:$0x3FD2] =	sst s26  }
0x1e: {  	s4 =	sshll.u32 s27, $0x1;
	_ =	strace $0x80000046;
	[dreg:$0x1] =	wrdreg $0xFFFFFFFF  }
0x1f: {  	s28 =	simm.s32 $_size_execute0_lowered;
	s1 =	sadd.s32 s1, s4;
	[dreg:$0x0] =	wrdreg $0x0  }
0x20: {  	s4 =	sshll.u32 s28, $0x1;
	[dreg:$0x2] =	wrdreg s1  }
0x21: {  	[dreg:$0x3] =	wrdreg s4  }
0x22: {  	[dreg:$0x4] =	wrdreg $0xC0  }
0x23: {  	_ =	task [dreg:s6], $0x5FFFF  }
0x24: {  	[dreg:$0x1] =	wrdreg $0xFFFFFFFF  }
0x25: {  	[dreg:$0x0] =	wrdreg $0x60  }
0x26: {  	[dreg:$0x2] =	wrdreg s25  }
0x27: {  	[dreg:$0x3] =	wrdreg $0x9  }
0x28: {  	_ =	task.clear_ibuf [dreg:s6], $0x4FFFF;
	_ =	strace $0x90000046  }
0x29: {  	s29 =	simm.s32 $0x9;
	_ =	strace $0x80000048  }
0x2a: {  	_ =	swait.ge [sflag:s29], $0x1  }
0x2b: {  	[sflag:s29] =	ssyncadd.s32 $0xFFFFFFFF  }
0x2c: {  	_ =	strace $0x90000048  }
0x2d: {  	_ =	sfence  }
0x2e: {  	s30 =	sld [smem:$0x0];
	_ =	sdelay $0x2  }
0x2f: {  	s31 =	sshll.u32 s3, $0xD;
	s3 =	sshrl.u32 s3, $0x2  }
0x30: {  	s2 =	sand.u32 $0x4000, s31;
	s1 =	sadd.s32 s3, s30  }
0x31: {  	s0 =	sor.u32 s2, s0;
	s1 =	sshll.u32 s1, $0x11  }
0x32: {  	s0 =	sor.u32 s1, s0  }
0x33: {  	s0 =	sadd.s32 $0x8F2B, s0  }
0x34: {  	[sflag:s0] =	ssyncadd.remote.s32 $0x1  }
0x35: {  	_ =	sfence.sel $0xFFFF  }
0x36: {  	[dreg:$0x0] =	wrdreg $0xFFFFFFFF;
	(pc) =	sbr.abs _section_cstart, $3  }
0x37: {  	[dreg:$0x1] =	wrdreg $0xFFFFFFFF  }
0x38: {  	_ =	task.clear_ibuf [dreg:s6], $0x2FFFF;
	_ =	strace $0x9FFFFFFF  }
0x39: {  	(tm) =	ssettm $0x7FFFFFFF  }
tec
execute0_lowered:
.L_overlay_start_1:
0x0: {  	(tag) =	ssettag $0x1  }
0x1: {  	s0 =	srdreg.scid  }
0x2: {  	s5 =	rddreg [dreg:$0x0];
	s1 =	stileid.u32;
	s4 =	simm.s32 $0x1  }
0x3: {  	s6 =	simm.s32 $0x2;
	s8 =	simm.s32 $0x0;
	s2 =	sshll.u32 s0, $0x4  }
0x4: {  	s9 =	simm.s32 $0x0;
	s13 =	simm.s32 $0x0;
	s2 =	sand.u32 $0x10, s2  }
.Ltmp0:
0x5: {  	s10 =	simm.s32 $0x0;
	s3 =	sor.u32 s1, s2;
	(pc) =	sbr.rel .LBB1_1-.Ltmp0, $4  }
0x6: {  	s0 =	rddreg [dreg:$0x1];
	_ =	strace $0x80000047;
	s3 =	sshll.u32 s3, $0x4  }
0x7: {  	s12 =	simm.s32 $0x0;
	[sflag:s4] =	ssyncpa.u1 $0x0;
	s7 =	ssub.s32 $0x7A10, s3  }
0x8: {  	s2 =	sadd.s32 $0x1200, s5;
	[sflag:s6] =	ssyncpa.u1 $0x0;
	s6 =	sshrl.u32 s7, $0x9  }
0x9: {  	s5 =	sadd.s32 $0x3D1C00, s5;
	s11 =	smov.u32 s3;
	s7 =	sor.u32 $0x2, s6  }
.LBB1_7:
0xa: {  	s15 =	sshll.u32 s12, $0xF  }
0xb: {  	s15 =	sand.u32 $0x8000, s15  }
0xc: {  	s16 =	sshll.u32 s10, $0x7;
	s15 =	sshrl.u32 s15, $0x1  }
0xd: {  	s16 =	sadd.s32 s5, s16;
	s15 =	sor.u32 $0x8000, s15  }
0xe: {  	[hbm4b:s16+s8] =	stream.linear.scatter [tilespmem:s15], [sflag:$0x2], s14, $0x38;
	[tilespmem:$0x10000] =	vst v63  }
.LBB1_8:
0xf: {  	p0 =	slt.u32 s12, $0x2  }
0x10: {  	p1 =	sgt.s32 @!p0 s13, $0x7A02  }
0x11: {  	s14 =	smov.u32 s13;
	s15 =	sshra.s32 @!p0 s13, $0x1F;
	p1 =	por !p1, p0  }
0x12: {  	s13 =	sand.u32 @!p0 s15, s13;
	s14 =	simm.s32 @p1 $0x7A02  }
0x13: {  	s13 =	ssub.s32 @!p0 s14, s13  }
0x14: {  	s13 =	sadd.s32 @!p0 $0xFFFF85FE, s13  }
0x15: {  	s14 =	sshll.u32 @!p0 s13, $0xC  }
0x16: {  	p1 =	sgt.s32 @!p0 s13, $0xF;
	s13 =	ssub.s32 @!p0 $0x10000, s14  }
0x17: {  	s15 =	sadd.s32 $0x200, s11;
	p1 =	por !p1, p0;
	s13 =	sshrl.u32 @!p0 s13, $0x2  }
0x18: {  	s13 =	simm.s32 @!p1 $0x0;
	p1 =	sgt.s32 s15, $0x7A11  }
0x19: {  	s15 =	smov.u32 @p1 s3;
	p1 =	sne.s32 s12, s7  }
.Ltmp1:
0x1a: {  	_ = 	snop;
	(pc) =	sbr.rel @!p1 .LBB1_9-.Ltmp1, $4  }
0x1b: {  	s14 =	simm.s32 @!p0 $0x2  }
0x1c: {  	s9 =	sadd.s32 $0x8000, s9;
	_ =	swait.ge @!p0 [sflag:s14], s13;
	s16 =	ssub.s32 @!p0 $0x0, s13  }
0x1d: {  	s13 =	smov.u32 s10;
	s12 =	sadd.s32 $0x1, s12;
	[sflag:s14] =	ssyncset.done @!p0 $0x0  }
0x1e: {  	s10 =	smov.u32 s11;
	s11 =	smov.u32 s15;
	[sflag:s14] =	ssyncadd.s32 @!p0 s16  }
.LBB1_1:
0x1f: {  	p0 =	sgt.u32 s12, s6  }
0x20: {  	p1 =	sgt.s32 @!p0 s11, $0x7A02  }
0x21: {  	s14 =	smov.u32 s11;
	s15 =	sshra.s32 @!p0 s11, $0x1F;
	p1 =	por !p1, p0  }
0x22: {  	s15 =	sand.u32 @!p0 s15, s11;
	s14 =	simm.s32 @p1 $0x7A02  }
0x23: {  	s14 =	ssub.s32 @!p0 s14, s15  }
0x24: {  	s14 =	sadd.s32 @!p0 $0xFFFF85FE, s14  }
0x25: {  	s16 =	sshll.u32 @!p0 s11, $0x7;
	s17 =	simm.s32 @!p0 $0x0;
	s15 =	sshll.u32 @!p0 s14, $0xC  }
0x26: {  	p1 =	sgt.s32 @!p0 s14, $0xF;
	s14 =	ssub.s32 @!p0 $0x10000, s15;
	s15 =	sxor.u32 @!p0 $0xFFFFFFFF, s12  }
0x27: {  	p1 =	por !p1, p0;
	s14 =	sshrl.u32 @!p0 s14, $0x2;
	s15 =	sshll.u32 @!p0 s15, $0xE  }
0x28: {  	s16 =	sadd.s32 @!p0 s2, s16;
	s14 =	simm.s32 @!p1 $0x0;
	s15 =	sand.u32 @!p0 $0x4000, s15  }
0x29: {  	[tilespmem:s15], [sflag:$0x1] =	stream.linear.gather @!p0 [hbm4b:s16+s17], s14, $0x38;
	[tilespmem:$0x10000] =	vst v63  }
0x2a: {  	p0 =	seq.s32 s12, $0x0  }
0x2b: {  	p1 =	sge.u32 @!p0 s12, s7  }
0x2c: {  	p0 =	por p0, p1  }
.Ltmp2:
0x2d: {  	_ = 	snop;
	(pc) =	sbr.rel @p0 .LBB1_8-.Ltmp2, $1  }
0x2e: {  	_ =	sdelay $0x3  }
0x2f: {  	p0 =	sgt.s32 s10, $0x7A02;
	s14 =	smov.u32 s10;
	s15 =	sshra.s32 s10, $0x1F  }
0x30: {  	s14 =	simm.s32 @!p0 $0x7A02;
	s15 =	sand.u32 s15, s10  }
0x31: {  	s14 =	ssub.s32 s14, s15  }
0x32: {  	s16 =	sadd.s32 $0x10, s10;
	s14 =	sadd.s32 $0xFFFF85FE, s14  }
0x33: {  	p1 =	slt.s32 s16, $0x7A12;
	s30 =	sshll.u32 s14, $0xC  }
0x34: {  	s16 =	simm.s32 @!p1 $0x7A12;
	s15 =	ssub.s32 $0x10000, s30  }
0x35: {  	p0 =	sgt.s32 s14, $0xF;
	s14 =	sshrl.u32 s15, $0x2;
	s15 =	ssub.s32 s16, s10  }
0x36: {  	s14 =	simm.s32 @p0 $0x0;
	p0 =	slt.s32 s15, $0x1  }
.Ltmp3:
0x37: {  	_ = 	snop;
	(pc) =	sbr.rel @p0 .LBB1_7-.Ltmp3, $4  }
0x38: {  	_ = 	snop  }
0x39: {  	_ =	swait.ge [sflag:s4], s14  }
0x3a: {  	s31 =	ssub.s32 $0x0, s14;
	[sflag:s4] =	ssyncset.done $0x0  }
0x3b: {  	[sflag:s4] =	ssyncadd.s32 s31  }
0x3c: {  	s16 =	sshrl.u32 s9, $0x1  }
0x3d: {  	s17 =	sand.u32 $0x4000, s16  }
0x3e: {  	s18 =	simm.s32 $0x0;
	s16 =	sor.u32 $0x200, s17;
	s17 =	sor.u32 $0x8080, s17  }
.LBB1_4:
0x3f: {  	v0 =	vld [tilespmem:s16+$0xFFFFFE70]  }
0x40: {  	v1 =	vld [tilespmem:s16+$0x70]  }
0x41: {  	v2 =	vld [tilespmem:s16+$0x0]  }
0x42: {  	v3 =	vld [tilespmem:s16+$0xFFFFFE10]  }
0x43: {  	v4 =	vld [tilespmem:s16+$0x10]  }
0x44: {  	v5 =	vld [tilespmem:s16+$0xFFFFFE20]  }
0x45: {  	v7 =	vld [tilespmem:s16+$0x20]  }
0x46: {  	v11 =	vld [tilespmem:s16+$0x30];
	v6 =	vunpack.i.l.s16.s32 v0;
	v8 =	vunpack.i.u.s16.s32 v0;
	v9 =	vunpack.i.u.s16.s32 v1  }
0x47: {  	v10 =	vunpack.i.l.s16.s32 v1;
	v0 =	vunpack.i.u.s16.s32 v2;
	v1 =	vunpack.i.l.s16.s32 v2;
	v2 =	vld [tilespmem:s16+$0xFFFFFE30]  }
0x48: {  	v8 =	vpack.i.b32.b16 v9, v8;
	v9 =	vunpack.i.u.s16.s32 v3;
	v3 =	vunpack.i.l.s16.s32 v3  }
0x49: {  	v12 =	vld [tilespmem:s16+$0xFFFFFE40];
	v6 =	vpack.i.b32.b16 v10, v6;
	[tilespmem:s17+$0x70] =	vst v8;
	v8 =	vunpack.i.u.s16.s32 v4;
	v4 =	vunpack.i.l.s16.s32 v4  }
0x4a: {  	v13 =	vld [tilespmem:s16+$0x40];
	v10 =	vunpack.i.u.s16.s32 v5;
	v5 =	vunpack.i.l.s16.s32 v5;
	[tilespmem:s17+$0xFFFFFFF0] =	vst v6;
	v3 =	vpack.i.b32.b16 v4, v3  }
0x4b: {  	v6 =	vunpack.i.l.s16.s32 v7;
	v4 =	vld [tilespmem:s16+$0xFFFFFE50];
	[tilespmem:s17+$0xFFFFFF90] =	vst v3;
	v3 =	vpack.i.b32.b16 v8, v9;
	v8 =	vunpack.i.u.s16.s32 v7  }
0x4c: {  	v7 =	vunpack.i.l.s16.s32 v11;
	[tilespmem:s17+$0x10] =	vst v3;
	v3 =	vpack.i.b32.b16 v6, v5;
	v9 =	vunpack.i.u.s16.s32 v2;
	v6 =	vld [tilespmem:s16+$0x50]  }
0x4d: {  	v5 =	vunpack.i.l.s16.s32 v2;
	v2 =	vld [tilespmem:s16+$0xFFFFFE60];
	[tilespmem:s17+$0xFFFFFFA0] =	vst v3;
	v3 =	vpack.i.b32.b16 v8, v10;
	v10 =	vunpack.i.u.s16.s32 v11  }
0x4e: {  	s21 =	simm.s32 $0x0;
	v11 =	vpack.i.b32.b16 v7, v5;
	v7 =	vunpack.i.u.s16.s32 v12;
	v8 =	vunpack.i.l.s16.s32 v12;
	[tilespmem:s17+$0x20] =	vst v3;
	v3 =	vld [tilespmem:s16+$0x60]  }
0x4f: {  	s22 =	sadd.s32 $0x80, s16;
	s20 =	smov.u32 s17;
	s19 =	smov.u32 s17;
	v5 =	vld [tilespmem:s16+$0xFFFFFE00];
	[tilespmem:s17+$0xFFFFFFB0] =	vst v11;
	v10 =	vpack.i.b32.b16 v10, v9;
	v9 =	vunpack.i.u.s16.s32 v13;
	v11 =	vunpack.i.l.s16.s32 v13  }
.LBB1_5:
0x50: {  	v12 =	vld [tilespmem:s22+$0xFFFFFE70];
	[tilespmem:s20+$0x30] =	vst v10;
	v8 =	vpack.i.b32.b16 v11, v8;
	v10 =	vunpack.i.u.s16.s32 v4;
	v4 =	vunpack.i.l.s16.s32 v4  }
0x51: {  	s21 =	sadd.s32 $0x2, s21;
	v7 =	vpack.i.b32.b16 v9, v7;
	v11 =	vld [tilespmem:s22+$0x70];
	[tilespmem:s20+$0xFFFFFFC0] =	vst v8;
	v8 =	vunpack.i.u.s16.s32 v6;
	v6 =	vunpack.i.l.s16.s32 v6  }
0x52: {  	p0 =	slt.u32 s21, $0x6;
	v9 =	vld [tilespmem:s22+$0x0];
	[tilespmem:s20+$0x40] =	vst v7;
	v4 =	vpack.i.b32.b16 v6, v4;
	v6 =	vunpack.i.u.s16.s32 v2;
	v2 =	vunpack.i.l.s16.s32 v2  }
0x53: {  	v7 =	vld [tilespmem:s22+$0xFFFFFE10];
	[tilespmem:s20+$0xFFFFFFD0] =	vst v4;
	v4 =	vpack.i.b32.b16 v8, v10;
	v8 =	vunpack.i.u.s16.s32 v3;
	v3 =	vunpack.i.l.s16.s32 v3  }
0x54: {  	v10 =	vld [tilespmem:s22+$0x10];
	v13 =	vunpack.i.u.s16.s32 v5;
	v5 =	vunpack.i.l.s16.s32 v5;
	[tilespmem:s20+$0x50] =	vst v4;
	v2 =	vpack.i.b32.b16 v3, v2  }
0x55: {  	v3 =	vld [tilespmem:s22+$0xFFFFFE20];
	v4 =	vunpack.i.l.s16.s32 v12;
	v1 =	vpack.i.b32.b16 v1, v5;
	v5 =	vpack.i.b32.b16 v0, v13;
	[tilespmem:s20+$0xFFFFFFE0] =	vst v2  }
0x56: {  	v12 =	vunpack.i.u.s16.s32 v12;
	v2 =	vld [tilespmem:s22+$0x20];
	v13 =	vunpack.i.u.s16.s32 v11;
	v11 =	vunpack.i.l.s16.s32 v11;
	[tilespmem:s20+$0xFFFFFF80] =	vst v1  }
0x57: {  	s20 =	sadd.s32 $0x100, s20;
	v0 =	vunpack.i.u.s16.s32 v9;
	v1 =	vunpack.i.l.s16.s32 v9;
	v9 =	vld [tilespmem:s22+$0xFFFFFE30];
	v12 =	vpack.i.b32.b16 v13, v12;
	[tilespmem:s19+$0x0] =	vst v5  }
0x58: {  	v6 =	vpack.i.b32.b16 v8, v6;
	v5 =	vunpack.i.u.s16.s32 v7;
	v7 =	vunpack.i.l.s16.s32 v7;
	v13 =	vld [tilespmem:s22+$0x30];
	[tilespmem:s20+$0x70] =	vst v12  }
0x59: {  	v4 =	vpack.i.b32.b16 v11, v4;
	v8 =	vunpack.i.u.s16.s32 v10;
	v10 =	vunpack.i.l.s16.s32 v10;
	v12 =	vld [tilespmem:s22+$0xFFFFFE40];
	[tilespmem:s19+$0x60] =	vst v6;
	s19 =	smov.u32 s20  }
0x5a: {  	v6 =	vpack.i.b32.b16 v10, v7;
	v7 =	vunpack.i.u.s16.s32 v3;
	v3 =	vunpack.i.l.s16.s32 v3;
	v11 =	vld [tilespmem:s22+$0x40];
	[tilespmem:s20+$0xFFFFFFF0] =	vst v4  }
.Ltmp4:
0x5b: {  	v5 =	vpack.i.b32.b16 v8, v5;
	[tilespmem:s20+$0xFFFFFF90] =	vst v6;
	v8 =	vunpack.i.u.s16.s32 v2;
	v2 =	vunpack.i.l.s16.s32 v2;
	v4 =	vld [tilespmem:s22+$0xFFFFFE50];
	(pc) =	sbr.rel @p0 .LBB1_5-.Ltmp4, $4  }
0x5c: {  	[tilespmem:s20+$0x10] =	vst v5;
	v2 =	vpack.i.b32.b16 v2, v3;
	v10 =	vunpack.i.u.s16.s32 v9;
	v3 =	vunpack.i.l.s16.s32 v9;
	v6 =	vld [tilespmem:s22+$0x50]  }
0x5d: {  	v5 =	vpack.i.b32.b16 v8, v7;
	[tilespmem:s20+$0xFFFFFFA0] =	vst v2;
	v9 =	vunpack.i.u.s16.s32 v13;
	v7 =	vunpack.i.l.s16.s32 v13;
	v2 =	vld [tilespmem:s22+$0xFFFFFE60]  }
0x5e: {  	[tilespmem:s20+$0x20] =	vst v5;
	v13 =	vpack.i.b32.b16 v7, v3;
	v7 =	vunpack.i.u.s16.s32 v12;
	v8 =	vunpack.i.l.s16.s32 v12;
	v3 =	vld [tilespmem:s22+$0x60]  }
0x5f: {  	v10 =	vpack.i.b32.b16 v9, v10;
	v5 =	vld [tilespmem:s22+$0xFFFFFE00];
	[tilespmem:s20+$0xFFFFFFB0] =	vst v13;
	v9 =	vunpack.i.u.s16.s32 v11;
	v11 =	vunpack.i.l.s16.s32 v11;
	s22 =	sadd.s32 $0x80, s22  }
0x60: {  	[tilespmem:s20+$0x30] =	vst v10;
	v8 =	vpack.i.b32.b16 v11, v8  }
0x61: {  	v51 =	vunpack.i.l.s16.s32 v4;
	v7 =	vpack.i.b32.b16 v9, v7;
	[tilespmem:s20+$0xFFFFFFC0] =	vst v8;
	v52 =	vunpack.i.l.s16.s32 v6  }
0x62: {  	v53 =	vunpack.i.u.s16.s32 v4;
	s18 =	sadd.s32 $0x1, s18;
	v54 =	vunpack.i.u.s16.s32 v6;
	[tilespmem:s20+$0x40] =	vst v7;
	v55 =	vpack.i.b32.b16 v52, v51  }
0x63: {  	p0 =	sne.s32 s18, s15;
	v56 =	vunpack.i.l.s16.s32 v2;
	v4 =	vpack.i.b32.b16 v54, v53;
	[tilespmem:s20+$0xFFFFFFD0] =	vst v55;
	v57 =	vunpack.i.l.s16.s32 v3  }
.Ltmp5:
0x64: {  	[tilespmem:s20+$0x50] =	vst v4;
	v58 =	vunpack.i.l.s16.s32 v5;
	v59 =	vpack.i.b32.b16 v57, v56;
	(pc) =	sbr.rel @p0 .LBB1_4-.Ltmp5, $4  }
.Ltmp6:
0x65: {  	v61 =	vunpack.i.u.s16.s32 v2;
	v62 =	vunpack.i.u.s16.s32 v3;
	v1 =	vpack.i.b32.b16 v1, v58;
	[tilespmem:s20+$0xFFFFFFE0] =	vst v59;
	(pc) =	sbr.rel @!p0 .LBB1_7-.Ltmp6, $4  }
0x66: {  	v60 =	vunpack.i.u.s16.s32 v5;
	v63 =	vpack.i.b32.b16 v62, v61;
	[tilespmem:s20+$0xFFFFFF80] =	vst v1  }
0x67: {  	v0 =	vpack.i.b32.b16 v0, v60;
	[tilespmem:s19+$0x60] =	vst v63  }
0x68: {  	s16 =	sadd.s32 $0x400, s16;
	s17 =	sadd.s32 $0x400, s17;
	[tilespmem:s19+$0x0] =	vst v0  }
0x69: {  	_ = 	snop  }
.LBB1_9:
0x6a: {  	_ =	sfence.sel $0x180000  }
0x6b: {  	s2 =	simm.s32 $0x1;
	[bflag:$0x0] =	sbarrier.arrive $0xFFFF  }
0x6c: {  	s31 =	simm.s32 $0x2;
	[sflag:s2] =	ssyncpa.u1 $0x1  }
0x6d: {  	[sflag:s31] =	ssyncpa.u1 $0x1  }
0x6e: {  	p0 =	sne.s32 s1, $0x0;
	_ =	strace $0x90000047  }
0x6f: {  	s0 =	sadd.s32 @!p0 $0x100000, s0;
	[bflag:$0x2] =	sbarrier.arrive $0xFFFF  }
0x70: {  	[sflag:s0] =	ssyncadd.tile.s32 @!p0 $0x1;
	_ =	shalt  }
.Lfunc_end1:
_tile_overlayer_lowered:
.L_overlay_start_2:
0x71: {  	(tag) =	ssettag $0x2  }
0x72: {  	s0 =	rddreg [dreg:$0x0];
	s2 =	stileid.u32  }
0x73: {  	s1 =	rddreg [dreg:$0x1];
	p0 =	sne.s32 s2, $0x0  }
0x74: {  	s3 =	rddreg [dreg:$0x2];
	[bflag:$0x3] =	sbarrier.arrive $0xFFFF;
	s2 =	simm.s32 @!p0 $0x1C01  }
0x75: {  	[timem:s3], [sflag:s2] =	dma.local @!p0 [hbm:s0], s1  }
0x76: {  	s0 =	simm.s32 @!p0 $0x1  }
0x77: {  	_ =	swait.ge @!p0 [sflag:s0], s1  }
0x78: {  	s1 =	ssub.s32 @!p0 $0x0, s1;
	[sflag:s0] =	ssyncset.done @!p0 $0x0  }
0x79: {  	[sflag:s0] =	ssyncadd.s32 @!p0 s1  }
0x7a: {  	[bflag:$0x3] =	sbarrier.arrive $0xFFFF  }
0x7b: {  	_ =	shalt  }

// kernel: sparse-core-data-format-call.cloned.1.call-start
scs
called_computation_lowered:
.L_overlay_start_0:
0x0: {  	s2 =	sld [smem:$0x3FD9]  }
0x1: {  	s3 =	sld [smem:$0x3FFE];
	_ =	sdelay $0x1  }
0x2: {  	s1 =	srdreg.scid  }
0x3: {  	s0 =	sand.u32 $0x1, s1  }
0x4: {  	s18 =	sshll.u32 s0, $0xA;
	s2 =	sadd.s32 s3, s2  }
0x5: {  	s2 =	sadd.s32 s2, s18  }
0x6: {  	[smem:$0x3FC6] =	sst s2  }
0x7: {  	_ = 	snop  }
0x8: {  	s2 =	sld [smem:$0x3FD0];
	(tm) =	ssettm $0x1  }
0x9: {  	s19 =	sld [smem:$0x3FFB];
	_ =	sdelay $0x3  }
0xa: {  	_ =	strace s19  }
0xb: {  	s3 =	sld [smem:$0x3FFC];
	_ =	sdelay $0x3  }
0xc: {  	_ =	strace s3  }
0xd: {  	s3 =	sld [smem:$0x3FFD];
	_ =	sdelay $0x3  }
0xe: {  	_ =	strace s3  }
0xf: {  	_ =	strace $0x8FFFFFFF  }
0x10: {  	s20 =	sld [smem:$0x3FDB];
	_ =	sdelay $0x1  }
0x11: {  	s4 =	simm.s32 $_scs_section_size  }
0x12: {  	s5 =	simm.s32 $_size__tile_overlayer_lowered;
	s6 =	simm.s32 $_tile_overlayer_lowered  }
0x13: {  	s23 =	simm.s32 $0x1BFF;
	s22 =	sshll.u32 s6, $0x1;
	s3 =	sadd.s32 s4, s20  }
0x14: {  	s7 =	simm.s32 $0x0;
	s21 =	sshll.u32 s5, $0x1;
	s5 =	sadd.s32 s22, s3  }
0x15: {  	[timem:s7], [sflag:s23] =	dma.local [hbm:s5], s21  }
0x16: {  	_ =	swait.ge [sflag:s23], s21  }
0x17: {  	s4 =	ssub.s32 $0x0, s21;
	[sflag:s23] =	ssyncset.done $0x0  }
0x18: {  	[sflag:s23] =	ssyncadd.s32 s4;
	_ =	sdelay $0x1  }
0x19: {  	s24 =	simm.s32 $0x1B8B  }
0x1a: {  	_ =	swait.ge [sflag:s24], $0x1  }
0x1b: {  	[sflag:s24] =	ssyncset.done $0x0  }
0x1c: {  	s26 =	simm.s32 $0x1B8E;
	s25 =	sld [smem:$0x3FFE];
	[sflag:s24] =	ssyncadd.s32 $0xFFFFFFFF  }
0x1d: {  	s27 =	simm.s32 $execute0_lowered;
	[smem:$0x3FD2] =	sst s26  }
0x1e: {  	s5 =	sshll.u32 s27, $0x1;
	_ =	strace $0x8000004C;
	[dreg:$0x1] =	wrdreg $0xFFFFFFFF  }
0x1f: {  	s28 =	simm.s32 $_size_execute0_lowered;
	s3 =	sadd.s32 s3, s5;
	[dreg:$0x0] =	wrdreg $0x0  }
0x20: {  	s5 =	sshll.u32 s28, $0x1;
	[dreg:$0x2] =	wrdreg s3  }
0x21: {  	[dreg:$0x3] =	wrdreg s5  }
0x22: {  	[dreg:$0x4] =	wrdreg $0xC0  }
0x23: {  	_ =	task [dreg:s7], $0x5FFFF  }
0x24: {  	[dreg:$0x1] =	wrdreg $0xFFFFFFFF  }
0x25: {  	[dreg:$0x0] =	wrdreg $0x60  }
0x26: {  	[dreg:$0x2] =	wrdreg s25  }
0x27: {  	[dreg:$0x3] =	wrdreg s2  }
0x28: {  	[dreg:$0x4] =	wrdreg $0x9  }
0x29: {  	_ =	task.clear_ibuf [dreg:s7], $0x5FFFF;
	_ =	strace $0x9000004C  }
0x2a: {  	s29 =	simm.s32 $0x9;
	_ =	strace $0x8000004E  }
0x2b: {  	_ =	swait.ge [sflag:s29], $0x1  }
0x2c: {  	[sflag:s29] =	ssyncadd.s32 $0xFFFFFFFF  }
0x2d: {  	_ =	strace $0x9000004E  }
0x2e: {  	_ =	sfence  }
0x2f: {  	s30 =	sld [smem:$0x0];
	_ =	sdelay $0x2  }
0x30: {  	s31 =	sshll.u32 s1, $0xD;
	s1 =	sshrl.u32 s1, $0x2  }
0x31: {  	s3 =	sand.u32 $0x4000, s31;
	s1 =	sadd.s32 s1, s30  }
0x32: {  	s0 =	sor.u32 s3, s0;
	s1 =	sshll.u32 s1, $0x11  }
0x33: {  	s0 =	sor.u32 s1, s0  }
0x34: {  	s0 =	sadd.s32 $0x8F2B, s0  }
0x35: {  	[sflag:s0] =	ssyncadd.remote.s32 $0x1  }
0x36: {  	_ =	sfence.sel $0xFFFF  }
0x37: {  	[dreg:$0x0] =	wrdreg $0xFFFFFFFF;
	(pc) =	sbr.abs _section_cstart, $3  }
0x38: {  	[dreg:$0x1] =	wrdreg $0xFFFFFFFF  }
0x39: {  	_ =	task.clear_ibuf [dreg:s7], $0x2FFFF;
	_ =	strace $0x9FFFFFFF  }
0x3a: {  	(tm) =	ssettm $0x7FFFFFFF  }
0x3b: {  	_ =	shalt  }
tec
execute0_lowered:
.L_overlay_start_1:
0x0: {  	(tag) =	ssettag $0x1  }
0x1: {  	s0 =	srdreg.scid  }
0x2: {  	s1 =	sshll.u32 s0, $0x4  }
0x3: {  	s0 =	stileid.u32;
	s1 =	sand.u32 $0x10, s1  }
0x4: {  	s1 =	sor.u32 s0, s1  }
0x5: {  	s6 =	rddreg [dreg:$0x0];
	s4 =	simm.s32 $0x1;
	s2 =	sshll.u32 s1, $0x7  }
0x6: {  	s7 =	simm.s32 $0x2;
	s13 =	simm.s32 $0x0;
	s1 =	ssub.s32 $0x4000, s2  }
0x7: {  	s8 =	simm.s32 $0x10000;
	s12 =	simm.s32 $0x0;
	s3 =	sand.u32 $0xF80, s1  }
0x8: {  	s9 =	simm.s32 $0x0;
	s5 =	sshrl.u32 s1, $0xC;
	p0 =	sne.s32 s3, $0x0  }
.Ltmp0:
0x9: {  	s1 =	rddreg [dreg:$0x2];
	s4 =	simm.s32 @!p0 $0x0;
	(pc) =	sbr.rel .LBB1_1-.Ltmp0, $4  }
0xa: {  	s11 =	simm.s32 $0x0;
	s3 =	rddreg [dreg:$0x1];
	s5 =	sadd.s32 s4, s5  }
0xb: {  	_ =	strace $0x8000004D;
	s4 =	simm.s32 $0x1;
	s5 =	smul.u32 $0x19, s5  }
0xc: {  	s6 =	sadd.s32 $0x321200, s6;
	s10 =	smov.u32 s2;
	[sflag:s4] =	ssyncpa.u1 $0x0  }
0xd: {  	p0 =	por $0x0, $0x0;
	[sflag:s7] =	ssyncpa.u1 $0x0;
	s7 =	sadd.s32 $0x1, s5  }
.LBB1_4:
0xe: {  	v1 =	vperm.xlane.i2c.b16 v1;
	v0 =	vperm.xlane.i2c.b16 v0  }
0xf: {  	v2 =	vperm.xlane.i2c.b16 v2;
	v3 =	vperm.xlane.i2c.b16 v3  }
0x10: {  	[tilespmem:s16+$0x0 ss:$0x81] =	vst.msk $0xffff, v5;
	s17 =	sshra.s32 s17, $0x2;
	s18 =	sshll.u32 s12, $0x3;
	s19 =	sshll.u32 s12, $0x1;
	v62 =	vcombine.low v0, v1  }
0x11: {  	s13 =	sshll.u32 s13, $0x10;
	s30 =	sshrl.u32 s12, $0x1;
	[tilespmem:s16+$0x1020 ss:$0x81] =	vst.msk $0xffff, v4;
	s15 =	sadd.s32 s17, s15;
	v63 =	vcombine.low v3, v2  }
0x12: {  	s31 =	sand.u32 $0x7, s12;
	s28 =	sand.u32 $0xF0, s19;
	s29 =	sand.u32 $0x3C00, s18;
	v0 =	vcombine.high v0, v1;
	[tilespmem:s15+$0x810 ss:$0x81] =	vst.msk $0xffff, v62  }
0x13: {  	s17 =	sand.u32 $0xFC00, s30;
	s13 =	sadd.s32 s3, s13;
	s16 =	sor.u32 s28, s29;
	v2 =	vcombine.high v3, v2;
	[tilespmem:s15+$0x0 ss:$0x81] =	vst.msk $0xffff, v63  }
0x14: {  	s12 =	sshll.u32 s31, $0x12;
	s13 =	sadd.s32 s17, s13;
	s16 =	sshrl.u32 s16, $0x4;
	[tilespmem:s15+$0x1830 ss:$0x81] =	vst.msk $0xffff, v0  }
0x15: {  	s12 =	sor.u32 $0x200, s12;
	s13 =	sadd.s32 s16, s13;
	[tilespmem:s15+$0x1020 ss:$0x81] =	vst.msk $0xffff, v2  }
0x16: {  	[hbm4b:s13+s12] =	stream.strided.scatter [tilespmem:s14], [sflag:$0x2], $0x2000, s8, s12, $0x20;
	[tilespmem:$0x8080] =	vst v63  }
.LBB1_5:
0x17: {  	s14 =	sadd.s32 $0x2, s9  }
0x18: {  	s12 =	sadd.s32 $0x1000, s10;
	s16 =	smov.u32 s10;
	p2 =	sgt.s32 s14, $0x31  }
0x19: {  	s16 =	smov.u32 @p2 s12  }
0x1a: {  	s14 =	simm.s32 @p2 $0x0;
	p2 =	sgt.s32 s16, $0x3FFF  }
0x1b: {  	s16 =	smov.u32 @p2 s2;
	p2 =	sne.s32 s11, s7  }
.Ltmp1:
0x1c: {  	p1 =	slt.u32 s11, $0x2;
	(pc) =	sbr.rel @!p2 .LBB1_6-.Ltmp1, $4  }
0x1d: {  	s15 =	simm.s32 @!p1 $0x2  }
0x1e: {  	s13 =	smov.u32 s9;
	p0 =	por !p0, !p0;
	_ =	swait.ge @!p1 [sflag:s15], $0x2000  }
0x1f: {  	s12 =	smov.u32 s10;
	[sflag:s15] =	ssyncset.done @!p1 $0x0;
	s9 =	smov.u32 s14  }
0x20: {  	s11 =	sadd.s32 $0x1, s11;
	[sflag:s15] =	ssyncadd.s32 @!p1 $0xFFFFE000;
	s10 =	smov.u32 s16  }
.LBB1_1:
0x21: {  	p1 =	sge.u32 s11, s5  }
0x22: {  	s14 =	sand.u32 @!p1 $0x1FFFFFE, s9  }
0x23: {  	s15 =	smulhi.u32 @!p1 $0x4924925, s14;
	_ =	sdelay $0x1  }
0x24: {  	s15 =	smul.u32 @!p1 $0x38, s15  }
0x25: {  	s31 =	sadd.s32 $0xFFFFFFFF, s11;
	s16 =	smul.u32 @!p1 $0x1C0, s10  }
0x26: {  	s17 =	simm.s32 @!p1 $0xE00;
	s14 =	ssub.s32 @!p1 s14, s15;
	s15 =	sxor.u32 @!p1 $0xFFFFFFFF, s11  }
0x27: {  	s16 =	sadd.s32 @!p1 s6, s16;
	s14 =	sshll.u32 @!p1 s14, $0x3;
	s15 =	sshll.u32 @!p1 s15, $0xD  }
0x28: {  	s14 =	sadd.s32 @!p1 s14, s16;
	s15 =	sand.u32 @!p1 $0x2000, s15;
	s16 =	simm.s32 @!p1 $0x40  }
0x29: {  	[tilespmem:s15], [sflag:$0x1] =	stream.strided.gather @!p1 [hbm4b:s14+s16], $0x2000, s17, s16, $0x38;
	[tilespmem:$0x8080] =	vst v63  }
0x2a: {  	p1 =	sge.u32 s31, s5  }
.Ltmp2:
0x2b: {  	_ = 	snop;
	(pc) =	sbr.rel @p1 .LBB1_5-.Ltmp2, $1  }
0x2c: {  	_ =	sdelay $0x3  }
0x2d: {  	s14 =	simm.s32 $0x1  }
0x2e: {  	_ =	swait.ge [sflag:s4], $0x2000;
	s14 =	simm.s32 @!p0 $0x0  }
0x2f: {  	[sflag:s4] =	ssyncset.done $0x0;
	s15 =	sshll.u32 s14, $0xD  }
0x30: {  	[sflag:s4] =	ssyncadd.s32 $0xFFFFE000;
	s15 =	sor.u32 $0x20, s15  }
0x31: {  	v0 =	vld [tilespmem:s15+$0x0]  }
0x32: {  	v1 =	vld [tilespmem:s15+$0x10]  }
0x33: {  	v2 =	vld [tilespmem:s15+$0xFFFFFFF0]  }
0x34: {  	v3 =	vld [tilespmem:s15+$0xFFFFFFE0];
	_ =	sdelay $0x1  }
0x35: {  	s14 =	smul.u32 $0x8100, s14;
	s19 =	sadd.s32 $0x40, s15  }
0x36: {  	s16 =	sand.u32 $0x1, s11;
	v4 =	vperm.xlane.i2c.b16 v1;
	v5 =	vperm.xlane.i2c.b16 v0;
	v0 =	vld [tilespmem:s19+$0x0]  }
0x37: {  	s16 =	smul.u32 $0x8100, s16;
	s14 =	sshrl.u32 s14, $0x2;
	v6 =	vperm.xlane.i2c.b16 v2;
	v1 =	vld [tilespmem:s19+$0x10]  }
0x38: {  	s15 =	sor.u32 $0x4000, s14;
	v8 =	vperm.xlane.i2c.b16 v3;
	v2 =	vld [tilespmem:s19+$0xFFFFFFF0];
	v7 =	vcombine.low v5, v4  }
0x39: {  	s31 =	sshrl.u32 s16, $0x2;
	s16 =	sadd.s32 $0x0, s15;
	v3 =	vld [tilespmem:s19+$0xFFFFFFE0];
	v9 =	vcombine.high v5, v4  }
0x3a: {  	s17 =	simm.s32 $0x4;
	v5 =	vcombine.low v8, v6;
	[tilespmem:s16+$0x810 ss:$0x81] =	vst.msk $0xffff, v7  }
0x3b: {  	s18 =	simm.s32 $0x8;
	s14 =	sor.u32 $0x4000, s31;
	s19 =	sadd.s32 $0x40, s19;
	v4 =	vcombine.high v8, v6;
	[tilespmem:s16+$0x1830 ss:$0x81] =	vst.msk $0xffff, v9  }
.LBB1_3:
0x3c: {  	v6 =	vperm.xlane.i2c.b16 v1;
	v7 =	vperm.xlane.i2c.b16 v0;
	v0 =	vld [tilespmem:s19+$0x0];
	[tilespmem:s16+$0x0 ss:$0x81] =	vst.msk $0xffff, v5;
	s20 =	smov.u32 s18;
	p1 =	sne.s32 s18, $0x1FC  }
.Ltmp3:
0x3d: {  	v8 =	vperm.xlane.i2c.b16 v2;
	v1 =	vld [tilespmem:s19+$0x10];
	[tilespmem:s16+$0x1020 ss:$0x81] =	vst.msk $0xffff, v4;
	(pc) =	sbr.rel @p1 .LBB1_3-.Ltmp3, $4  }
0x3e: {  	s18 =	sadd.s32 $0x4, s18;
	v4 =	vperm.xlane.i2c.b16 v3;
	s16 =	sshra.s32 s17, $0x2;
	v2 =	vld [tilespmem:s19+$0xFFFFFFF0];
	v9 =	vcombine.low v7, v6  }
0x3f: {  	s17 =	smov.u32 s20;
	s16 =	sadd.s32 s16, s15;
	v6 =	vcombine.high v7, v6;
	v3 =	vld [tilespmem:s19+$0xFFFFFFE0]  }
0x40: {  	v5 =	vcombine.low v4, v8;
	v4 =	vcombine.high v4, v8;
	[tilespmem:s16+$0x810 ss:$0x81] =	vst.msk $0xffff, v9  }
0x41: {  	s19 =	sadd.s32 $0x40, s19;
	[tilespmem:s16+$0x1830 ss:$0x81] =	vst.msk $0xffff, v6  }
.Ltmp4:
0x42: {  	_ = 	snop;
	(pc) =	sbr.rel .LBB1_4-.Ltmp4, $1  }
0x43: {  	_ =	sdelay $0x3  }
.LBB1_6:
0x44: {  	_ =	sfence.sel $0x180000  }
0x45: {  	s2 =	simm.s32 $0x1;
	[bflag:$0x0] =	sbarrier.arrive $0xFFFF  }
0x46: {  	s31 =	simm.s32 $0x2;
	[sflag:s2] =	ssyncpa.u1 $0x1  }
0x47: {  	[sflag:s31] =	ssyncpa.u1 $0x1  }
0x48: {  	p0 =	sne.s32 s0, $0x0;
	_ =	strace $0x9000004D  }
0x49: {  	s0 =	sadd.s32 @!p0 $0x100000, s1;
	[bflag:$0x2] =	sbarrier.arrive $0xFFFF  }
0x4a: {  	[sflag:s0] =	ssyncadd.tile.s32 @!p0 $0x1;
	_ =	shalt  }
.Lfunc_end1:
_tile_overlayer_lowered:
.L_overlay_start_2:
0x4b: {  	(tag) =	ssettag $0x2  }
0x4c: {  	s0 =	rddreg [dreg:$0x0];
	s2 =	stileid.u32  }
0x4d: {  	s1 =	rddreg [dreg:$0x1];
	p0 =	sne.s32 s2, $0x0  }
0x4e: {  	s3 =	rddreg [dreg:$0x2];
	[bflag:$0x3] =	sbarrier.arrive $0xFFFF;
	s2 =	simm.s32 @!p0 $0x1C01  }
0x4f: {  	[timem:s3], [sflag:s2] =	dma.local @!p0 [hbm:s0], s1  }
0x50: {  	s0 =	simm.s32 @!p0 $0x1  }
0x51: {  	_ =	swait.ge @!p0 [sflag:s0], s1  }
0x52: {  	s1 =	ssub.s32 @!p0 $0x0, s1;
	[sflag:s0] =	ssyncset.done @!p0 $0x0  }
0x53: {  	[sflag:s0] =	ssyncadd.s32 @!p0 s1  }
0x54: {  	[bflag:$0x3] =	sbarrier.arrive $0xFFFF  }
0x55: {  	_ =	shalt  }

</sc_bundles>
